<compile_context>
chip_gen: v7x
topology: tpu7x:2x2x1
jax: 0.10.2.dev20260603
libtpu: 0.0.44.dev20260713+nightly
codegen_flags: <defaults>
</compile_context>

<pallas_src>
import functools

import jax
import jax.numpy as jnp
from jax import lax
from jax.experimental import pallas as pl
from jax.experimental.pallas import tpu as pltpu
from jax.experimental.pallas import tpu_sc as plsc

_NN = 50000
_NE = 100000
_AD = 32
_BD = 16
_NW = 32
_CH = 128
_E2 = 102400
_SP_ROWS = 51200


_GRP = 5


def _sc_gather(atom, nbr_pad):
    per_w = _E2 // _NW
    n_grp = per_w // (_CH * _GRP)
    mesh = plsc.VectorSubcoreMesh(core_axis_name="c", subcore_axis_name="s")

    @functools.partial(
        pl.kernel,
        mesh=mesh,
        out_type=jax.ShapeDtypeStruct((_E2, _AD), jnp.float32),
        scratch_types=[
            pltpu.VMEM((per_w,), jnp.int32),
            pltpu.VMEM((_GRP, _CH, _AD), jnp.float32),
            pltpu.SemaphoreType.DMA,
            pltpu.SemaphoreType.DMA,
        ],
        compiler_params=pltpu.CompilerParams(use_tc_tiling_on_sc=False),
    )
    def k(atom_hbm, idx_hbm, out_hbm, idx_all, bufs, gsem, wsem):
        wid = lax.axis_index("s") * 2 + lax.axis_index("c")
        base = wid * per_w
        pltpu.sync_copy(idx_hbm.at[pl.ds(base, per_w)], idx_all)

        def group(g, carry):
            cbase = g * _GRP
            hs = [
                pltpu.async_copy(
                    atom_hbm.at[idx_all.at[pl.ds((cbase + b) * _CH, _CH)]],
                    bufs.at[b], gsem)
                for b in range(_GRP)
            ]
            for h in hs:
                h.wait()
            ws = [
                pltpu.async_copy(
                    bufs.at[b],
                    out_hbm.at[pl.ds(base + (cbase + b) * _CH, _CH)], wsem)
                for b in range(_GRP)
            ]
            for w in ws:
                w.wait()
            return carry

        lax.fori_loop(0, n_grp, group, 0)

    return k(atom, nbr_pad)


def _tc_transform(bond_q, a_pk, wcat_t):
    be = 1024
    rb = be // 4

    def body(bq_ref, a_ref, wt_ref, out_ref):
        p = a_ref[...]
        bq = bq_ref[...]
        cols = []
        for g in range(4):
            pg = p[:, g * _AD:(g + 1) * _AD]
            ht = lax.dot_general(wt_ref[...], pg, (((1,), (1,)), ((), ())),
                                 preferred_element_type=jnp.float32)
            bt = bq[g]
            acc = ht[512:544, :]
            for kk in range(_BD):
                acc = acc + bt[kk:kk + 1, :] * ht[kk * 32:(kk + 1) * 32, :]
            cols.append(acc.T)
        out_ref[...] = jnp.concatenate(cols, axis=1)

    return pl.pallas_call(
        body,
        grid=(_E2 // be,),
        in_specs=[
            pl.BlockSpec((4, _BD, rb), lambda i: (0, 0, i)),
            pl.BlockSpec((rb, 4 * _AD), lambda i: (i, 0)),
            pl.BlockSpec((544, _AD), lambda i: (0, 0)),
        ],
        out_specs=pl.BlockSpec((rb, 4 * _AD), lambda i: (i, 0)),
        out_shape=jax.ShapeDtypeStruct((_E2 // 4, 4 * _AD), jnp.float32),
    )(bond_q, a_pk, wcat_t)


def _sc_segment_sum(transformed, src2):
    per_t = _E2 // 16
    n_grp = per_t // (_CH * _GRP)
    zrows = _SP_ROWS // 16
    orows = _NN // 16
    mesh = plsc.VectorSubcoreMesh(core_axis_name="c", subcore_axis_name="s")

    @functools.partial(
        pl.kernel,
        mesh=mesh,
        out_type=jax.ShapeDtypeStruct((_NN, _AD), jnp.float32),
        scratch_types=[
            pltpu.VMEM((_GRP, _CH), jnp.int32),
            pltpu.VMEM((_GRP, _CH, _AD), jnp.float32),
            pltpu.VMEM((_CH, _AD), jnp.float32),
            pltpu.VMEM_SHARED((_SP_ROWS, _AD), jnp.float32),
            pltpu.SemaphoreType.DMA,
            pltpu.SemaphoreType.DMA,
        ],
        compiler_params=pltpu.CompilerParams(use_tc_tiling_on_sc=False),
    )
    def k(t_hbm, src_hbm, out_hbm, idx_all, bufs, zbuf, acc_sp, lsem, ssem):
        cid = lax.axis_index("c")
        sid = lax.axis_index("s")

        @pl.when(cid == 0)
        def _zero():
            zero16 = jnp.zeros((16,), jnp.float32)

            def zb(r, carry):
                zbuf[r, 0:16] = zero16
                zbuf[r, 16:32] = zero16
                return carry

            lax.fori_loop(0, _CH, zb, 0)

            def zs(cnk, carry):
                pltpu.sync_copy(
                    zbuf, acc_sp.at[pl.ds(sid * zrows + cnk * _CH, _CH)])
                return carry

            lax.fori_loop(0, zrows // _CH, zs, 0)

        plsc.subcore_barrier()

        @pl.when(cid == 0)
        def _scatter():
            base = sid * per_t

            def group(g, carry):
                cbase = g * _GRP
                pltpu.sync_copy(
                    src_hbm.at[pl.ds(sid * (per_t // _CH) + cbase, _GRP)],
                    idx_all)
                hs = [
                    pltpu.async_copy(
                        t_hbm.at[pl.ds(base + (cbase + b) * _CH, _CH)],
                        bufs.at[b], lsem)
                    for b in range(_GRP)
                ]
                for h in hs:
                    h.wait()
                ws = [
                    pltpu.async_copy(
                        bufs.at[b], acc_sp.at[idx_all.at[b]],
                        ssem, add=True)
                    for b in range(_GRP)
                ]
                for w in ws:
                    w.wait()
                return carry

            lax.fori_loop(0, n_grp, group, 0)

        plsc.subcore_barrier()

        @pl.when(cid == 0)
        def _flush():
            pltpu.sync_copy(acc_sp.at[pl.ds(sid * orows, orows)],
                            out_hbm.at[pl.ds(sid * orows, orows)])

    return k(transformed, src2)


def kernel(atom_features, bond_features, pair_indices, kernel, bias):
    w_aug = jnp.concatenate([kernel, bias[None, :]], axis=0)
    wcat_t = w_aug.reshape(17 * _AD, _AD)

    pad = _E2 - _NE
    nbr_pad = jnp.concatenate(
        [pair_indices[:, 1], jnp.zeros((pad,), jnp.int32)])
    src2 = jnp.concatenate(
        [pair_indices[:, 0], jnp.full((pad,), _NN, jnp.int32)]
    ).reshape(_E2 // _CH, _CH)
    bond_q = jnp.concatenate(
        [bond_features, jnp.zeros((pad, _BD), jnp.float32)]
    ).reshape(_E2 // 4, 4, _BD).transpose(1, 2, 0)

    a_nbr = _sc_gather(atom_features, nbr_pad)
    a_pk = a_nbr.reshape(_E2 // 4, 4 * _AD)
    t_pk = _tc_transform(bond_q, a_pk, wcat_t)
    transformed = t_pk.reshape(_E2, _AD)
    return _sc_segment_sum(transformed, src2)

# --- scband reference (transcript-rebuilt; emitter-appended) ---
"""Pipeline reference for scband-edge-network-13116830122450 (READ-ONLY COPY).

The authoritative reference and input builder live on the scoring server;
editing this copy changes nothing except your own understanding.
"""

import jax, jax.numpy as jnp
import numpy as np

N_NODES = 50000
N_EDGES = 100000
ATOM_DIM = 32
BOND_DIM = 16


def setup_inputs(seed: int = 0) -> dict:
    key = jax.random.key(seed)
    k1, k2, k3, k4, k5 = jax.random.split(key, 5)
    atom_features = jax.random.normal(k1, (N_NODES, ATOM_DIM), dtype=jnp.float32)
    bond_features = jax.random.normal(k2, (N_EDGES, BOND_DIM), dtype=jnp.float32)
    # column 0 (destination/aggregation node) must be sorted for tf.math.segment_sum semantics
    src = jnp.sort(jax.random.randint(k3, (N_EDGES,), 0, N_NODES, dtype=jnp.int32))
    nbr = jax.random.randint(k4, (N_EDGES,), 0, N_NODES, dtype=jnp.int32)
    pair_indices = jnp.stack([src, nbr], axis=1)
    # glorot_uniform init for kernel, zeros for bias
    fan_in, fan_out = BOND_DIM, ATOM_DIM * ATOM_DIM
    limit = float(np.sqrt(6.0 / (fan_in + fan_out)))
    kernel = jax.random.uniform(k5, (BOND_DIM, ATOM_DIM * ATOM_DIM), minval=-limit, maxval=limit, dtype=jnp.float32)
    bias = jnp.zeros((ATOM_DIM * ATOM_DIM,), dtype=jnp.float32)
    return {
        "atom_features": atom_features,
        "bond_features": bond_features,
        "pair_indices": pair_indices,
        "kernel": kernel,
        "bias": bias,
    }


def reference(atom_features, bond_features, pair_indices, kernel, bias):
    # bond_features -> per-edge (atom_dim x atom_dim) message matrix
    bf = jnp.matmul(bond_features, kernel) + bias
    bf = bf.reshape(-1, ATOM_DIM, ATOM_DIM)
    # gather neighbor atom features (pair_indices[:, 1])
    atom_features_neighbors = jnp.take(atom_features, pair_indices[:, 1], axis=0)
    atom_features_neighbors = atom_features_neighbors[:, :, None]
    # per-edge matvec
    transformed = jnp.matmul(bf, atom_features_neighbors)
    transformed = jnp.squeeze(transformed, axis=-1)
    # segment-sum aggregation into destination nodes (pair_indices[:, 0])
    aggregated = jax.ops.segment_sum(transformed, pair_indices[:, 0], num_segments=N_NODES)
    return aggregated

if __name__ == "__main__":
    import jax
    _d = setup_inputs()
    print(jax.jit(kernel)(*tuple(_d.values())))

</pallas_src>

<mosaic_0001>
#map = affine_map<(d0, d1) -> (0, 0)>
module attributes {stable_mosaic.version = 14 : i64} {
  func.func @k(%arg0: i32, %arg1: i32, %arg2: memref<102400x32xf32, #tpu.memory_space<hbm>>, %arg3: memref<800x128xi32, #tpu.memory_space<hbm>>, %arg4: memref<50000x32xf32, #tpu.memory_space<hbm>>, %arg5: memref<5x128xi32, #tpu.memory_space<vmem>>, %arg6: memref<5x128x32xf32, #tpu.memory_space<vmem>>, %arg7: memref<128x32xf32, #tpu.memory_space<vmem>>, %arg8: memref<51200x32xf32, #tpu.memory_space<vmem_shared>>, %arg9: memref<!tpu.dma_semaphore, #tpu.memory_space<semaphore_mem>>, %arg10: memref<!tpu.dma_semaphore, #tpu.memory_space<semaphore_mem>>) attributes {dimension_semantics = [#tpu.dimension_semantics<core_parallel>, #tpu.dimension_semantics<subcore_parallel>], iteration_bounds = array<i64: 2, 16>, scalar_prefetch = 0 : i64, scratch_operands = 6 : i64, tpu.core_type = #tpu.core_type<sc_vector_subcore>, window_params = [{transform_indices = #map}, {transform_indices = #map}, {transform_indices = #map}]} {
    %eq3A = arith.constant 0 : i32
    %eq3A_0 = arith.cmpi eq, %arg0, %eq3A : i32
    %convert_element_type3A = arith.extui %eq3A_0 : i1 to i32
    %cond3A = arith.constant 0 : i32
    %cond3A_1 = arith.cmpi ne, %convert_element_type3A, %cond3A : i32
    scf.if %cond3A_1 {
      %broadcast_in_dim3A = arith.constant 0.000000e+00 : f32
      %broadcast_in_dim3A_13 = vector.broadcast %broadcast_in_dim3A : f32 to vector<16xf32>
      %scan3A = arith.constant 0 : i32
      %scan3A_14 = arith.constant 0 : i32
      %scan3A_15 = arith.constant 128 : i32
      %scan3A_16 = arith.addi %scan3A_14, %scan3A_15 : i32
      %scan3A_17 = arith.constant 1 : i32
      scf.for %scan3A_25 = %scan3A_14 to %scan3A_16 step %scan3A_17  : i32 {
        %swap3A = arith.index_cast %scan3A_25 : i32 to index
        %swap3A_26 = arith.constant 0 : index
        %swap3A_27 = tpu.vector_load %arg7[%swap3A, %swap3A_26] {strides = array<i32>} : memref<128x32xf32, #tpu.memory_space<vmem>>, vector<1x16xf32>,
        %swap3A_28 = vector.shape_cast %swap3A_27 : vector<1x16xf32> to vector<16xf32>
        %swap3A_29 = vector.shape_cast %broadcast_in_dim3A_13 : vector<16xf32> to vector<1x16xf32>
        tpu.vector_store %arg7[%swap3A, %swap3A_26], %swap3A_29 {strides = array<i32>} : memref<128x32xf32, #tpu.memory_space<vmem>>, vector<1x16xf32>,
        %swap3A_30 = arith.index_cast %scan3A_25 : i32 to index
        %swap3A_31 = arith.constant 16 : index
        %swap3A_32 = tpu.vector_load %arg7[%swap3A_30, %swap3A_31] {strides = array<i32>} : memref<128x32xf32, #tpu.memory_space<vmem>>, vector<1x16xf32>,
        %swap3A_33 = vector.shape_cast %swap3A_32 : vector<1x16xf32> to vector<16xf32>
        %swap3A_34 = vector.shape_cast %broadcast_in_dim3A_13 : vector<16xf32> to vector<1x16xf32>
        tpu.vector_store %arg7[%swap3A_30, %swap3A_31], %swap3A_34 {strides = array<i32>} : memref<128x32xf32, #tpu.memory_space<vmem>>, vector<1x16xf32>,
      }
      %scan3A_18 = arith.constant 128 : i32
      %scan3A_19 = arith.constant 0 : i32
      %scan3A_20 = arith.constant 0 : i32
      %scan3A_21 = arith.constant 25 : i32
      %scan3A_22 = arith.addi %scan3A_20, %scan3A_21 : i32
      %scan3A_23 = arith.constant 1 : i32
      scf.for %scan3A_25 = %scan3A_20 to %scan3A_22 step %scan3A_23  : i32 {
        %mul3A = arith.constant 3200 : i32
        %mul3A_26 = arith.muli %arg1, %mul3A : i32
        %mul3A_27 = arith.constant 128 : i32
        %mul3A_28 = arith.muli %scan3A_25, %mul3A_27 : i32
        %add3A = arith.addi %mul3A_26, %mul3A_28 : i32
        "tpu.region"() ({
          %run_scoped3A = tpu.sem_alloc : memref<!tpu.dma_semaphore, #tpu.memory_space<semaphore_mem>>
          %dma_start3A = arith.constant 0 : i32
          %dma_start3A_29 = tpu.memref_slice %arg8[%add3A, %dma_start3A] : memref<51200x32xf32, #tpu.memory_space<vmem_shared>> -> memref<128x32xf32, #tpu.memory_space<vmem_shared>>
          %dma_start3A_30 = arith.constant 0 : i32
          %dma_start3A_31 = tpu.memref_slice %arg8[%add3A, %dma_start3A_30] : memref<51200x32xf32, #tpu.memory_space<vmem_shared>> -> memref<128x32xf32, #tpu.memory_space<vmem_shared>>
          tpu.enqueue_dma source(%arg7 : memref<128x32xf32, #tpu.memory_space<vmem>>) target(%dma_start3A_31 : memref<128x32xf32, #tpu.memory_space<vmem_shared>>) target_semaphore(%run_scoped3A : memref<!tpu.dma_semaphore, #tpu.memory_space<semaphore_mem>>)
          %dma_wait3A = arith.constant 0 : i32
          %dma_wait3A_32 = tpu.memref_slice %arg8[%add3A, %dma_wait3A] : memref<51200x32xf32, #tpu.memory_space<vmem_shared>> -> memref<128x32xf32, #tpu.memory_space<vmem_shared>>
          %dma_wait3A_33 = arith.constant 0 : i32
          %dma_wait3A_34 = tpu.memref_slice %arg8[%add3A, %dma_wait3A_33] : memref<51200x32xf32, #tpu.memory_space<vmem_shared>> -> memref<128x32xf32, #tpu.memory_space<vmem_shared>>
          tpu.wait_dma2 semaphore(%run_scoped3A : memref<!tpu.dma_semaphore, #tpu.memory_space<semaphore_mem>>) src(%arg7 : memref<128x32xf32, #tpu.memory_space<vmem>>) dst(%dma_wait3A_34 : memref<128x32xf32, #tpu.memory_space<vmem_shared>>)
          tpu.yield
        }) : () -> ()
      }
      %scan3A_24 = arith.constant 25 : i32
    } else {
    }
    %barrier3A = arith.constant 0 : index
    tpu.barrier barrier_id(%barrier3A)
    %eq3A_2 = arith.constant 0 : i32
    %eq3A_3 = arith.cmpi eq, %arg0, %eq3A_2 : i32
    %convert_element_type3A_4 = arith.extui %eq3A_3 : i1 to i32
    %cond3A_5 = arith.constant 0 : i32
    %cond3A_6 = arith.cmpi ne, %convert_element_type3A_4, %cond3A_5 : i32
    scf.if %cond3A_6 {
      %mul3A = arith.constant 6400 : i32
      %mul3A_13 = arith.muli %arg1, %mul3A : i32
      %scan3A = arith.constant 0 : i32
      %scan3A_14 = arith.constant 0 : i32
      %scan3A_15 = arith.constant 10 : i32
      %scan3A_16 = arith.addi %scan3A_14, %scan3A_15 : i32
      %scan3A_17 = arith.constant 1 : i32
      scf.for %scan3A_19 = %scan3A_14 to %scan3A_16 step %scan3A_17  : i32 {
        %mul3A_20 = arith.constant 5 : i32
        %mul3A_21 = arith.muli %scan3A_19, %mul3A_20 : i32
        %mul3A_22 = arith.constant 50 : i32
        %mul3A_23 = arith.muli %arg1, %mul3A_22 : i32
        %add3A = arith.addi %mul3A_23, %mul3A_21 : i32
        "tpu.region"() ({
          %run_scoped3A = tpu.sem_alloc : memref<!tpu.dma_semaphore, #tpu.memory_space<semaphore_mem>>
          %dma_start3A_297 = arith.constant 0 : i32
          %dma_start3A_298 = tpu.memref_slice %arg3[%add3A, %dma_start3A_297] : memref<800x128xi32, #tpu.memory_space<hbm>> -> memref<5x128xi32, #tpu.memory_space<hbm>>
          %dma_start3A_299 = arith.constant 0 : i32
          %dma_start3A_300 = tpu.memref_slice %arg3[%add3A, %dma_start3A_299] : memref<800x128xi32, #tpu.memory_space<hbm>> -> memref<5x128xi32, #tpu.memory_space<hbm>>
          tpu.enqueue_dma source(%dma_start3A_300 : memref<5x128xi32, #tpu.memory_space<hbm>>) target(%arg5 : memref<5x128xi32, #tpu.memory_space<vmem>>) target_semaphore(%run_scoped3A : memref<!tpu.dma_semaphore, #tpu.memory_space<semaphore_mem>>)
          %dma_wait3A_301 = arith.constant 0 : i32
          %dma_wait3A_302 = tpu.memref_slice %arg3[%add3A, %dma_wait3A_301] : memref<800x128xi32, #tpu.memory_space<hbm>> -> memref<5x128xi32, #tpu.memory_space<hbm>>
          %dma_wait3A_303 = arith.constant 0 : i32
          %dma_wait3A_304 = tpu.memref_slice %arg3[%add3A, %dma_wait3A_303] : memref<800x128xi32, #tpu.memory_space<hbm>> -> memref<5x128xi32, #tpu.memory_space<hbm>>
          tpu.wait_dma2 semaphore(%run_scoped3A : memref<!tpu.dma_semaphore, #tpu.memory_space<semaphore_mem>>) src(%dma_wait3A_304 : memref<5x128xi32, #tpu.memory_space<hbm>>) dst(%arg5 : memref<5x128xi32, #tpu.memory_space<vmem>>)
          tpu.yield
        }) : () -> ()
        %add3A_24 = arith.constant 0 : i32
        %add3A_25 = arith.addi %mul3A_21, %add3A_24 : i32
        %mul3A_26 = arith.constant 128 : i32
        %mul3A_27 = arith.muli %add3A_25, %mul3A_26 : i32
        %add3A_28 = arith.addi %mul3A_13, %mul3A_27 : i32
        %dma_start3A = arith.constant 0 : i32
        %dma_start3A_29 = arith.constant 0 : i32
        %dma_start3A_30 = arith.constant 0 : i32
        %dma_start3A_31 = tpu.memref_slice %arg6[%dma_start3A, %dma_start3A_29, %dma_start3A_30] : memref<5x128x32xf32, #tpu.memory_space<vmem>> -> memref<1x128x32xf32, #tpu.memory_space<vmem>>
        %dma_start3A_32 = tpu.memref_squeeze %dma_start3A_31 : memref<1x128x32xf32, #tpu.memory_space<vmem>> -> memref<128x32xf32, #tpu.memory_space<vmem>>
        %dma_start3A_33 = arith.constant 0 : i32
        %dma_start3A_34 = tpu.memref_slice %arg2[%add3A_28, %dma_start3A_33] : memref<102400x32xf32, #tpu.memory_space<hbm>> -> memref<128x32xf32, #tpu.memory_space<hbm>>
        %dma_start3A_35 = arith.constant 0 : i32
        %dma_start3A_36 = arith.constant 0 : i32
        %dma_start3A_37 = tpu.memref_slice %arg6[%dma_start3A, %dma_start3A_35, %dma_start3A_36] : memref<5x128x32xf32, #tpu.memory_space<vmem>> -> memref<1x128x32xf32, #tpu.memory_space<vmem>>
        %dma_start3A_38 = tpu.memref_squeeze %dma_start3A_37 : memref<1x128x32xf32, #tpu.memory_space<vmem>> -> memref<128x32xf32, #tpu.memory_space<vmem>>
        %dma_start3A_39 = arith.constant 0 : i32
        %dma_start3A_40 = tpu.memref_slice %arg2[%add3A_28, %dma_start3A_39] : memref<102400x32xf32, #tpu.memory_space<hbm>> -> memref<128x32xf32, #tpu.memory_space<hbm>>
        tpu.enqueue_dma source(%dma_start3A_40 : memref<128x32xf32, #tpu.memory_space<hbm>>) target(%dma_start3A_38 : memref<128x32xf32, #tpu.memory_space<vmem>>) target_semaphore(%arg9 : memref<!tpu.dma_semaphore, #tpu.memory_space<semaphore_mem>>)
        %add3A_41 = arith.constant 1 : i32
        %add3A_42 = arith.addi %mul3A_21, %add3A_41 : i32
        %mul3A_43 = arith.constant 128 : i32
        %mul3A_44 = arith.muli %add3A_42, %mul3A_43 : i32
        %add3A_45 = arith.addi %mul3A_13, %mul3A_44 : i32
        %dma_start3A_46 = arith.constant 1 : i32
        %dma_start3A_47 = arith.constant 0 : i32
        %dma_start3A_48 = arith.constant 0 : i32
        %dma_start3A_49 = tpu.memref_slice %arg6[%dma_start3A_46, %dma_start3A_47, %dma_start3A_48] : memref<5x128x32xf32, #tpu.memory_space<vmem>> -> memref<1x128x32xf32, #tpu.memory_space<vmem>>
        %dma_start3A_50 = tpu.memref_squeeze %dma_start3A_49 : memref<1x128x32xf32, #tpu.memory_space<vmem>> -> memref<128x32xf32, #tpu.memory_space<vmem>>
        %dma_start3A_51 = arith.constant 0 : i32
        %dma_start3A_52 = tpu.memref_slice %arg2[%add3A_45, %dma_start3A_51] : memref<102400x32xf32, #tpu.memory_space<hbm>> -> memref<128x32xf32, #tpu.memory_space<hbm>>
        %dma_start3A_53 = arith.constant 0 : i32
        %dma_start3A_54 = arith.constant 0 : i32
        %dma_start3A_55 = tpu.memref_slice %arg6[%dma_start3A_46, %dma_start3A_53, %dma_start3A_54] : memref<5x128x32xf32, #tpu.memory_space<vmem>> -> memref<1x128x32xf32, #tpu.memory_space<vmem>>
        %dma_start3A_56 = tpu.memref_squeeze %dma_start3A_55 : memref<1x128x32xf32, #tpu.memory_space<vmem>> -> memref<128x32xf32, #tpu.memory_space<vmem>>
        %dma_start3A_57 = arith.constant 0 : i32
        %dma_start3A_58 = tpu.memref_slice %arg2[%add3A_45, %dma_start3A_57] : memref<102400x32xf32, #tpu.memory_space<hbm>> -> memref<128x32xf32, #tpu.memory_space<hbm>>
        tpu.enqueue_dma source(%dma_start3A_58 : memref<128x32xf32, #tpu.memory_space<hbm>>) target(%dma_start3A_56 : memref<128x32xf32, #tpu.memory_space<vmem>>) target_semaphore(%arg9 : memref<!tpu.dma_semaphore, #tpu.memory_space<semaphore_mem>>)
        %add3A_59 = arith.constant 2 : i32
        %add3A_60 = arith.addi %mul3A_21, %add3A_59 : i32
        %mul3A_61 = arith.constant 128 : i32
        %mul3A_62 = arith.muli %add3A_60, %mul3A_61 : i32
        %add3A_63 = arith.addi %mul3A_13, %mul3A_62 : i32
        %dma_start3A_64 = arith.constant 2 : i32
        %dma_start3A_65 = arith.constant 0 : i32
        %dma_start3A_66 = arith.constant 0 : i32
        %dma_start3A_67 = tpu.memref_slice %arg6[%dma_start3A_64, %dma_start3A_65, %dma_start3A_66] : memref<5x128x32xf32, #tpu.memory_space<vmem>> -> memref<1x128x32xf32, #tpu.memory_space<vmem>>
        %dma_start3A_68 = tpu.memref_squeeze %dma_start3A_67 : memref<1x128x32xf32, #tpu.memory_space<vmem>> -> memref<128x32xf32, #tpu.memory_space<vmem>>
        %dma_start3A_69 = arith.constant 0 : i32
        %dma_start3A_70 = tpu.memref_slice %arg2[%add3A_63, %dma_start3A_69] : memref<102400x32xf32, #tpu.memory_space<hbm>> -> memref<128x32xf32, #tpu.memory_space<hbm>>
        %dma_start3A_71 = arith.constant 0 : i32
        %dma_start3A_72 = arith.constant 0 : i32
        %dma_start3A_73 = tpu.memref_slice %arg6[%dma_start3A_64, %dma_start3A_71, %dma_start3A_72] : memref<5x128x32xf32, #tpu.memory_space<vmem>> -> memref<1x128x32xf32, #tpu.memory_space<vmem>>
        %dma_start3A_74 = tpu.memref_squeeze %dma_start3A_73 : memref<1x128x32xf32, #tpu.memory_space<vmem>> -> memref<128x32xf32, #tpu.memory_space<vmem>>
        %dma_start3A_75 = arith.constant 0 : i32
        %dma_start3A_76 = tpu.memref_slice %arg2[%add3A_63, %dma_start3A_75] : memref<102400x32xf32, #tpu.memory_space<hbm>> -> memref<128x32xf32, #tpu.memory_space<hbm>>
        tpu.enqueue_dma source(%dma_start3A_76 : memref<128x32xf32, #tpu.memory_space<hbm>>) target(%dma_start3A_74 : memref<128x32xf32, #tpu.memory_space<vmem>>) target_semaphore(%arg9 : memref<!tpu.dma_semaphore, #tpu.memory_space<semaphore_mem>>)
        %add3A_77 = arith.constant 3 : i32
        %add3A_78 = arith.addi %mul3A_21, %add3A_77 : i32
        %mul3A_79 = arith.constant 128 : i32
        %mul3A_80 = arith.muli %add3A_78, %mul3A_79 : i32
        %add3A_81 = arith.addi %mul3A_13, %mul3A_80 : i32
        %dma_start3A_82 = arith.constant 3 : i32
        %dma_start3A_83 = arith.constant 0 : i32
        %dma_start3A_84 = arith.constant 0 : i32
        %dma_start3A_85 = tpu.memref_slice %arg6[%dma_start3A_82, %dma_start3A_83, %dma_start3A_84] : memref<5x128x32xf32, #tpu.memory_space<vmem>> -> memref<1x128x32xf32, #tpu.memory_space<vmem>>
        %dma_start3A_86 = tpu.memref_squeeze %dma_start3A_85 : memref<1x128x32xf32, #tpu.memory_space<vmem>> -> memref<128x32xf32, #tpu.memory_space<vmem>>
        %dma_start3A_87 = arith.constant 0 : i32
        %dma_start3A_88 = tpu.memref_slice %arg2[%add3A_81, %dma_start3A_87] : memref<102400x32xf32, #tpu.memory_space<hbm>> -> memref<128x32xf32, #tpu.memory_space<hbm>>
        %dma_start3A_89 = arith.constant 0 : i32
        %dma_start3A_90 = arith.constant 0 : i32
        %dma_start3A_91 = tpu.memref_slice %arg6[%dma_start3A_82, %dma_start3A_89, %dma_start3A_90] : memref<5x128x32xf32, #tpu.memory_space<vmem>> -> memref<1x128x32xf32, #tpu.memory_space<vmem>>
        %dma_start3A_92 = tpu.memref_squeeze %dma_start3A_91 : memref<1x128x32xf32, #tpu.memory_space<vmem>> -> memref<128x32xf32, #tpu.memory_space<vmem>>
        %dma_start3A_93 = arith.constant 0 : i32
        %dma_start3A_94 = tpu.memref_slice %arg2[%add3A_81, %dma_start3A_93] : memref<102400x32xf32, #tpu.memory_space<hbm>> -> memref<128x32xf32, #tpu.memory_space<hbm>>
        tpu.enqueue_dma source(%dma_start3A_94 : memref<128x32xf32, #tpu.memory_space<hbm>>) target(%dma_start3A_92 : memref<128x32xf32, #tpu.memory_space<vmem>>) target_semaphore(%arg9 : memref<!tpu.dma_semaphore, #tpu.memory_space<semaphore_mem>>)
        %add3A_95 = arith.constant 4 : i32
        %add3A_96 = arith.addi %mul3A_21, %add3A_95 : i32
        %mul3A_97 = arith.constant 128 : i32
        %mul3A_98 = arith.muli %add3A_96, %mul3A_97 : i32
        %add3A_99 = arith.addi %mul3A_13, %mul3A_98 : i32
        %dma_start3A_100 = arith.constant 4 : i32
        %dma_start3A_101 = arith.constant 0 : i32
        %dma_start3A_102 = arith.constant 0 : i32
        %dma_start3A_103 = tpu.memref_slice %arg6[%dma_start3A_100, %dma_start3A_101, %dma_start3A_102] : memref<5x128x32xf32, #tpu.memory_space<vmem>> -> memref<1x128x32xf32, #tpu.memory_space<vmem>>
        %dma_start3A_104 = tpu.memref_squeeze %dma_start3A_103 : memref<1x128x32xf32, #tpu.memory_space<vmem>> -> memref<128x32xf32, #tpu.memory_space<vmem>>
        %dma_start3A_105 = arith.constant 0 : i32
        %dma_start3A_106 = tpu.memref_slice %arg2[%add3A_99, %dma_start3A_105] : memref<102400x32xf32, #tpu.memory_space<hbm>> -> memref<128x32xf32, #tpu.memory_space<hbm>>
        %dma_start3A_107 = arith.constant 0 : i32
        %dma_start3A_108 = arith.constant 0 : i32
        %dma_start3A_109 = tpu.memref_slice %arg6[%dma_start3A_100, %dma_start3A_107, %dma_start3A_108] : memref<5x128x32xf32, #tpu.memory_space<vmem>> -> memref<1x128x32xf32, #tpu.memory_space<vmem>>
        %dma_start3A_110 = tpu.memref_squeeze %dma_start3A_109 : memref<1x128x32xf32, #tpu.memory_space<vmem>> -> memref<128x32xf32, #tpu.memory_space<vmem>>
        %dma_start3A_111 = arith.constant 0 : i32
        %dma_start3A_112 = tpu.memref_slice %arg2[%add3A_99, %dma_start3A_111] : memref<102400x32xf32, #tpu.memory_space<hbm>> -> memref<128x32xf32, #tpu.memory_space<hbm>>
        tpu.enqueue_dma source(%dma_start3A_112 : memref<128x32xf32, #tpu.memory_space<hbm>>) target(%dma_start3A_110 : memref<128x32xf32, #tpu.memory_space<vmem>>) target_semaphore(%arg9 : memref<!tpu.dma_semaphore, #tpu.memory_space<semaphore_mem>>)
        %dma_wait3A = arith.constant 0 : i32
        %dma_wait3A_113 = arith.constant 0 : i32
        %dma_wait3A_114 = arith.constant 0 : i32
        %dma_wait3A_115 = tpu.memref_slice %arg6[%dma_wait3A, %dma_wait3A_113, %dma_wait3A_114] : memref<5x128x32xf32, #tpu.memory_space<vmem>> -> memref<1x128x32xf32, #tpu.memory_space<vmem>>
        %dma_wait3A_116 = tpu.memref_squeeze %dma_wait3A_115 : memref<1x128x32xf32, #tpu.memory_space<vmem>> -> memref<128x32xf32, #tpu.memory_space<vmem>>
        %dma_wait3A_117 = arith.constant 0 : i32
        %dma_wait3A_118 = tpu.memref_slice %arg2[%add3A_28, %dma_wait3A_117] : memref<102400x32xf32, #tpu.memory_space<hbm>> -> memref<128x32xf32, #tpu.memory_space<hbm>>
        %dma_wait3A_119 = arith.constant 0 : i32
        %dma_wait3A_120 = arith.constant 0 : i32
        %dma_wait3A_121 = tpu.memref_slice %arg6[%dma_wait3A, %dma_wait3A_119, %dma_wait3A_120] : memref<5x128x32xf32, #tpu.memory_space<vmem>> -> memref<1x128x32xf32, #tpu.memory_space<vmem>>
        %dma_wait3A_122 = tpu.memref_squeeze %dma_wait3A_121 : memref<1x128x32xf32, #tpu.memory_space<vmem>> -> memref<128x32xf32, #tpu.memory_space<vmem>>
        %dma_wait3A_123 = arith.constant 0 : i32
        %dma_wait3A_124 = tpu.memref_slice %arg2[%add3A_28, %dma_wait3A_123] : memref<102400x32xf32, #tpu.memory_space<hbm>> -> memref<128x32xf32, #tpu.memory_space<hbm>>
        tpu.wait_dma2 semaphore(%arg9 : memref<!tpu.dma_semaphore, #tpu.memory_space<semaphore_mem>>) src(%dma_wait3A_124 : memref<128x32xf32, #tpu.memory_space<hbm>>) dst(%dma_wait3A_122 : memref<128x32xf32, #tpu.memory_space<vmem>>)
        %dma_wait3A_125 = arith.constant 1 : i32
        %dma_wait3A_126 = arith.constant 0 : i32
        %dma_wait3A_127 = arith.constant 0 : i32
        %dma_wait3A_128 = tpu.memref_slice %arg6[%dma_wait3A_125, %dma_wait3A_126, %dma_wait3A_127] : memref<5x128x32xf32, #tpu.memory_space<vmem>> -> memref<1x128x32xf32, #tpu.memory_space<vmem>>
        %dma_wait3A_129 = tpu.memref_squeeze %dma_wait3A_128 : memref<1x128x32xf32, #tpu.memory_space<vmem>> -> memref<128x32xf32, #tpu.memory_space<vmem>>
        %dma_wait3A_130 = arith.constant 0 : i32
        %dma_wait3A_131 = tpu.memref_slice %arg2[%add3A_45, %dma_wait3A_130] : memref<102400x32xf32, #tpu.memory_space<hbm>> -> memref<128x32xf32, #tpu.memory_space<hbm>>
        %dma_wait3A_132 = arith.constant 0 : i32
        %dma_wait3A_133 = arith.constant 0 : i32
        %dma_wait3A_134 = tpu.memref_slice %arg6[%dma_wait3A_125, %dma_wait3A_132, %dma_wait3A_133] : memref<5x128x32xf32, #tpu.memory_space<vmem>> -> memref<1x128x32xf32, #tpu.memory_space<vmem>>
        %dma_wait3A_135 = tpu.memref_squeeze %dma_wait3A_134 : memref<1x128x32xf32, #tpu.memory_space<vmem>> -> memref<128x32xf32, #tpu.memory_space<vmem>>
        %dma_wait3A_136 = arith.constant 0 : i32
        %dma_wait3A_137 = tpu.memref_slice %arg2[%add3A_45, %dma_wait3A_136] : memref<102400x32xf32, #tpu.memory_space<hbm>> -> memref<128x32xf32, #tpu.memory_space<hbm>>
        tpu.wait_dma2 semaphore(%arg9 : memref<!tpu.dma_semaphore, #tpu.memory_space<semaphore_mem>>) src(%dma_wait3A_137 : memref<128x32xf32, #tpu.memory_space<hbm>>) dst(%dma_wait3A_135 : memref<128x32xf32, #tpu.memory_space<vmem>>)
        %dma_wait3A_138 = arith.constant 2 : i32
        %dma_wait3A_139 = arith.constant 0 : i32
        %dma_wait3A_140 = arith.constant 0 : i32
        %dma_wait3A_141 = tpu.memref_slice %arg6[%dma_wait3A_138, %dma_wait3A_139, %dma_wait3A_140] : memref<5x128x32xf32, #tpu.memory_space<vmem>> -> memref<1x128x32xf32, #tpu.memory_space<vmem>>
        %dma_wait3A_142 = tpu.memref_squeeze %dma_wait3A_141 : memref<1x128x32xf32, #tpu.memory_space<vmem>> -> memref<128x32xf32, #tpu.memory_space<vmem>>
        %dma_wait3A_143 = arith.constant 0 : i32
        %dma_wait3A_144 = tpu.memref_slice %arg2[%add3A_63, %dma_wait3A_143] : memref<102400x32xf32, #tpu.memory_space<hbm>> -> memref<128x32xf32, #tpu.memory_space<hbm>>
        %dma_wait3A_145 = arith.constant 0 : i32
        %dma_wait3A_146 = arith.constant 0 : i32
        %dma_wait3A_147 = tpu.memref_slice %arg6[%dma_wait3A_138, %dma_wait3A_145, %dma_wait3A_146] : memref<5x128x32xf32, #tpu.memory_space<vmem>> -> memref<1x128x32xf32, #tpu.memory_space<vmem>>
        %dma_wait3A_148 = tpu.memref_squeeze %dma_wait3A_147 : memref<1x128x32xf32, #tpu.memory_space<vmem>> -> memref<128x32xf32, #tpu.memory_space<vmem>>
        %dma_wait3A_149 = arith.constant 0 : i32
        %dma_wait3A_150 = tpu.memref_slice %arg2[%add3A_63, %dma_wait3A_149] : memref<102400x32xf32, #tpu.memory_space<hbm>> -> memref<128x32xf32, #tpu.memory_space<hbm>>
        tpu.wait_dma2 semaphore(%arg9 : memref<!tpu.dma_semaphore, #tpu.memory_space<semaphore_mem>>) src(%dma_wait3A_150 : memref<128x32xf32, #tpu.memory_space<hbm>>) dst(%dma_wait3A_148 : memref<128x32xf32, #tpu.memory_space<vmem>>)
        %dma_wait3A_151 = arith.constant 3 : i32
        %dma_wait3A_152 = arith.constant 0 : i32
        %dma_wait3A_153 = arith.constant 0 : i32
        %dma_wait3A_154 = tpu.memref_slice %arg6[%dma_wait3A_151, %dma_wait3A_152, %dma_wait3A_153] : memref<5x128x32xf32, #tpu.memory_space<vmem>> -> memref<1x128x32xf32, #tpu.memory_space<vmem>>
        %dma_wait3A_155 = tpu.memref_squeeze %dma_wait3A_154 : memref<1x128x32xf32, #tpu.memory_space<vmem>> -> memref<128x32xf32, #tpu.memory_space<vmem>>
        %dma_wait3A_156 = arith.constant 0 : i32
        %dma_wait3A_157 = tpu.memref_slice %arg2[%add3A_81, %dma_wait3A_156] : memref<102400x32xf32, #tpu.memory_space<hbm>> -> memref<128x32xf32, #tpu.memory_space<hbm>>
        %dma_wait3A_158 = arith.constant 0 : i32
        %dma_wait3A_159 = arith.constant 0 : i32
        %dma_wait3A_160 = tpu.memref_slice %arg6[%dma_wait3A_151, %dma_wait3A_158, %dma_wait3A_159] : memref<5x128x32xf32, #tpu.memory_space<vmem>> -> memref<1x128x32xf32, #tpu.memory_space<vmem>>
        %dma_wait3A_161 = tpu.memref_squeeze %dma_wait3A_160 : memref<1x128x32xf32, #tpu.memory_space<vmem>> -> memref<128x32xf32, #tpu.memory_space<vmem>>
        %dma_wait3A_162 = arith.constant 0 : i32
        %dma_wait3A_163 = tpu.memref_slice %arg2[%add3A_81, %dma_wait3A_162] : memref<102400x32xf32, #tpu.memory_space<hbm>> -> memref<128x32xf32, #tpu.memory_space<hbm>>
        tpu.wait_dma2 semaphore(%arg9 : memref<!tpu.dma_semaphore, #tpu.memory_space<semaphore_mem>>) src(%dma_wait3A_163 : memref<128x32xf32, #tpu.memory_space<hbm>>) dst(%dma_wait3A_161 : memref<128x32xf32, #tpu.memory_space<vmem>>)
        %dma_wait3A_164 = arith.constant 4 : i32
        %dma_wait3A_165 = arith.constant 0 : i32
        %dma_wait3A_166 = arith.constant 0 : i32
        %dma_wait3A_167 = tpu.memref_slice %arg6[%dma_wait3A_164, %dma_wait3A_165, %dma_wait3A_166] : memref<5x128x32xf32, #tpu.memory_space<vmem>> -> memref<1x128x32xf32, #tpu.memory_space<vmem>>
        %dma_wait3A_168 = tpu.memref_squeeze %dma_wait3A_167 : memref<1x128x32xf32, #tpu.memory_space<vmem>> -> memref<128x32xf32, #tpu.memory_space<vmem>>
        %dma_wait3A_169 = arith.constant 0 : i32
        %dma_wait3A_170 = tpu.memref_slice %arg2[%add3A_99, %dma_wait3A_169] : memref<102400x32xf32, #tpu.memory_space<hbm>> -> memref<128x32xf32, #tpu.memory_space<hbm>>
        %dma_wait3A_171 = arith.constant 0 : i32
        %dma_wait3A_172 = arith.constant 0 : i32
        %dma_wait3A_173 = tpu.memref_slice %arg6[%dma_wait3A_164, %dma_wait3A_171, %dma_wait3A_172] : memref<5x128x32xf32, #tpu.memory_space<vmem>> -> memref<1x128x32xf32, #tpu.memory_space<vmem>>
        %dma_wait3A_174 = tpu.memref_squeeze %dma_wait3A_173 : memref<1x128x32xf32, #tpu.memory_space<vmem>> -> memref<128x32xf32, #tpu.memory_space<vmem>>
        %dma_wait3A_175 = arith.constant 0 : i32
        %dma_wait3A_176 = tpu.memref_slice %arg2[%add3A_99, %dma_wait3A_175] : memref<102400x32xf32, #tpu.memory_space<hbm>> -> memref<128x32xf32, #tpu.memory_space<hbm>>
        tpu.wait_dma2 semaphore(%arg9 : memref<!tpu.dma_semaphore, #tpu.memory_space<semaphore_mem>>) src(%dma_wait3A_176 : memref<128x32xf32, #tpu.memory_space<hbm>>) dst(%dma_wait3A_174 : memref<128x32xf32, #tpu.memory_space<vmem>>)
        %dma_start3A_177 = arith.constant 0 : i32
        %dma_start3A_178 = arith.constant 0 : i32
        %dma_start3A_179 = arith.constant 0 : i32
        %dma_start3A_180 = arith.constant 0 : i32
        %dma_start3A_181 = tpu.memref_slice %arg6[%dma_start3A_177, %dma_start3A_179, %dma_start3A_180] : memref<5x128x32xf32, #tpu.memory_space<vmem>> -> memref<1x128x32xf32, #tpu.memory_space<vmem>>
        %dma_start3A_182 = tpu.memref_squeeze %dma_start3A_181 : memref<1x128x32xf32, #tpu.memory_space<vmem>> -> memref<128x32xf32, #tpu.memory_space<vmem>>
        %dma_start3A_183 = arith.constant 0 : i32
        %dma_start3A_184 = tpu.memref_slice %arg5[%dma_start3A_178, %dma_start3A_183] : memref<5x128xi32, #tpu.memory_space<vmem>> -> memref<1x128xi32, #tpu.memory_space<vmem>>
        %dma_start3A_185 = tpu.memref_squeeze %dma_start3A_184 : memref<1x128xi32, #tpu.memory_space<vmem>> -> memref<128xi32, #tpu.memory_space<vmem>>
        %dma_start3A_186 = arith.constant 0 : i32
        %dma_start3A_187 = arith.constant 0 : i32
        %dma_start3A_188 = tpu.memref_slice %arg8[%dma_start3A_186, %dma_start3A_187] : memref<51200x32xf32, #tpu.memory_space<vmem_shared>> -> memref<51200x32xf32, #tpu.memory_space<vmem_shared>>
        tpu.enqueue_indirect_dma source(%dma_start3A_182 : memref<128x32xf32, #tpu.memory_space<vmem>>) target(%dma_start3A_188 : memref<51200x32xf32, #tpu.memory_space<vmem_shared>>) offsets(%dma_start3A_185 : memref<128xi32, #tpu.memory_space<vmem>>) semaphore(%arg10 : memref<!tpu.dma_semaphore, #tpu.memory_space<semaphore_mem>>) {add = true}
        %dma_start3A_189 = arith.constant 1 : i32
        %dma_start3A_190 = arith.constant 1 : i32
        %dma_start3A_191 = arith.constant 0 : i32
        %dma_start3A_192 = arith.constant 0 : i32
        %dma_start3A_193 = tpu.memref_slice %arg6[%dma_start3A_189, %dma_start3A_191, %dma_start3A_192] : memref<5x128x32xf32, #tpu.memory_space<vmem>> -> memref<1x128x32xf32, #tpu.memory_space<vmem>>
        %dma_start3A_194 = tpu.memref_squeeze %dma_start3A_193 : memref<1x128x32xf32, #tpu.memory_space<vmem>> -> memref<128x32xf32, #tpu.memory_space<vmem>>
        %dma_start3A_195 = arith.constant 0 : i32
        %dma_start3A_196 = tpu.memref_slice %arg5[%dma_start3A_190, %dma_start3A_195] : memref<5x128xi32, #tpu.memory_space<vmem>> -> memref<1x128xi32, #tpu.memory_space<vmem>>
        %dma_start3A_197 = tpu.memref_squeeze %dma_start3A_196 : memref<1x128xi32, #tpu.memory_space<vmem>> -> memref<128xi32, #tpu.memory_space<vmem>>
        %dma_start3A_198 = arith.constant 0 : i32
        %dma_start3A_199 = arith.constant 0 : i32
        %dma_start3A_200 = tpu.memref_slice %arg8[%dma_start3A_198, %dma_start3A_199] : memref<51200x32xf32, #tpu.memory_space<vmem_shared>> -> memref<51200x32xf32, #tpu.memory_space<vmem_shared>>
        tpu.enqueue_indirect_dma source(%dma_start3A_194 : memref<128x32xf32, #tpu.memory_space<vmem>>) target(%dma_start3A_200 : memref<51200x32xf32, #tpu.memory_space<vmem_shared>>) offsets(%dma_start3A_197 : memref<128xi32, #tpu.memory_space<vmem>>) semaphore(%arg10 : memref<!tpu.dma_semaphore, #tpu.memory_space<semaphore_mem>>) {add = true}
        %dma_start3A_201 = arith.constant 2 : i32
        %dma_start3A_202 = arith.constant 2 : i32
        %dma_start3A_203 = arith.constant 0 : i32
        %dma_start3A_204 = arith.constant 0 : i32
        %dma_start3A_205 = tpu.memref_slice %arg6[%dma_start3A_201, %dma_start3A_203, %dma_start3A_204] : memref<5x128x32xf32, #tpu.memory_space<vmem>> -> memref<1x128x32xf32, #tpu.memory_space<vmem>>
        %dma_start3A_206 = tpu.memref_squeeze %dma_start3A_205 : memref<1x128x32xf32, #tpu.memory_space<vmem>> -> memref<128x32xf32, #tpu.memory_space<vmem>>
        %dma_start3A_207 = arith.constant 0 : i32
        %dma_start3A_208 = tpu.memref_slice %arg5[%dma_start3A_202, %dma_start3A_207] : memref<5x128xi32, #tpu.memory_space<vmem>> -> memref<1x128xi32, #tpu.memory_space<vmem>>
        %dma_start3A_209 = tpu.memref_squeeze %dma_start3A_208 : memref<1x128xi32, #tpu.memory_space<vmem>> -> memref<128xi32, #tpu.memory_space<vmem>>
        %dma_start3A_210 = arith.constant 0 : i32
        %dma_start3A_211 = arith.constant 0 : i32
        %dma_start3A_212 = tpu.memref_slice %arg8[%dma_start3A_210, %dma_start3A_211] : memref<51200x32xf32, #tpu.memory_space<vmem_shared>> -> memref<51200x32xf32, #tpu.memory_space<vmem_shared>>
        tpu.enqueue_indirect_dma source(%dma_start3A_206 : memref<128x32xf32, #tpu.memory_space<vmem>>) target(%dma_start3A_212 : memref<51200x32xf32, #tpu.memory_space<vmem_shared>>) offsets(%dma_start3A_209 : memref<128xi32, #tpu.memory_space<vmem>>) semaphore(%arg10 : memref<!tpu.dma_semaphore, #tpu.memory_space<semaphore_mem>>) {add = true}
        %dma_start3A_213 = arith.constant 3 : i32
        %dma_start3A_214 = arith.constant 3 : i32
        %dma_start3A_215 = arith.constant 0 : i32
        %dma_start3A_216 = arith.constant 0 : i32
        %dma_start3A_217 = tpu.memref_slice %arg6[%dma_start3A_213, %dma_start3A_215, %dma_start3A_216] : memref<5x128x32xf32, #tpu.memory_space<vmem>> -> memref<1x128x32xf32, #tpu.memory_space<vmem>>
        %dma_start3A_218 = tpu.memref_squeeze %dma_start3A_217 : memref<1x128x32xf32, #tpu.memory_space<vmem>> -> memref<128x32xf32, #tpu.memory_space<vmem>>
        %dma_start3A_219 = arith.constant 0 : i32
        %dma_start3A_220 = tpu.memref_slice %arg5[%dma_start3A_214, %dma_start3A_219] : memref<5x128xi32, #tpu.memory_space<vmem>> -> memref<1x128xi32, #tpu.memory_space<vmem>>
        %dma_start3A_221 = tpu.memref_squeeze %dma_start3A_220 : memref<1x128xi32, #tpu.memory_space<vmem>> -> memref<128xi32, #tpu.memory_space<vmem>>
        %dma_start3A_222 = arith.constant 0 : i32
        %dma_start3A_223 = arith.constant 0 : i32
        %dma_start3A_224 = tpu.memref_slice %arg8[%dma_start3A_222, %dma_start3A_223] : memref<51200x32xf32, #tpu.memory_space<vmem_shared>> -> memref<51200x32xf32, #tpu.memory_space<vmem_shared>>
        tpu.enqueue_indirect_dma source(%dma_start3A_218 : memref<128x32xf32, #tpu.memory_space<vmem>>) target(%dma_start3A_224 : memref<51200x32xf32, #tpu.memory_space<vmem_shared>>) offsets(%dma_start3A_221 : memref<128xi32, #tpu.memory_space<vmem>>) semaphore(%arg10 : memref<!tpu.dma_semaphore, #tpu.memory_space<semaphore_mem>>) {add = true}
        %dma_start3A_225 = arith.constant 4 : i32
        %dma_start3A_226 = arith.constant 4 : i32
        %dma_start3A_227 = arith.constant 0 : i32
        %dma_start3A_228 = arith.constant 0 : i32
        %dma_start3A_229 = tpu.memref_slice %arg6[%dma_start3A_225, %dma_start3A_227, %dma_start3A_228] : memref<5x128x32xf32, #tpu.memory_space<vmem>> -> memref<1x128x32xf32, #tpu.memory_space<vmem>>
        %dma_start3A_230 = tpu.memref_squeeze %dma_start3A_229 : memref<1x128x32xf32, #tpu.memory_space<vmem>> -> memref<128x32xf32, #tpu.memory_space<vmem>>
        %dma_start3A_231 = arith.constant 0 : i32
        %dma_start3A_232 = tpu.memref_slice %arg5[%dma_start3A_226, %dma_start3A_231] : memref<5x128xi32, #tpu.memory_space<vmem>> -> memref<1x128xi32, #tpu.memory_space<vmem>>
        %dma_start3A_233 = tpu.memref_squeeze %dma_start3A_232 : memref<1x128xi32, #tpu.memory_space<vmem>> -> memref<128xi32, #tpu.memory_space<vmem>>
        %dma_start3A_234 = arith.constant 0 : i32
        %dma_start3A_235 = arith.constant 0 : i32
        %dma_start3A_236 = tpu.memref_slice %arg8[%dma_start3A_234, %dma_start3A_235] : memref<51200x32xf32, #tpu.memory_space<vmem_shared>> -> memref<51200x32xf32, #tpu.memory_space<vmem_shared>>
        tpu.enqueue_indirect_dma source(%dma_start3A_230 : memref<128x32xf32, #tpu.memory_space<vmem>>) target(%dma_start3A_236 : memref<51200x32xf32, #tpu.memory_space<vmem_shared>>) offsets(%dma_start3A_233 : memref<128xi32, #tpu.memory_space<vmem>>) semaphore(%arg10 : memref<!tpu.dma_semaphore, #tpu.memory_space<semaphore_mem>>) {add = true}
        %dma_wait3A_237 = arith.constant 0 : i32
        %dma_wait3A_238 = arith.constant 0 : i32
        %dma_wait3A_239 = arith.constant 0 : i32
        %dma_wait3A_240 = arith.constant 0 : i32
        %dma_wait3A_241 = tpu.memref_slice %arg6[%dma_wait3A_237, %dma_wait3A_239, %dma_wait3A_240] : memref<5x128x32xf32, #tpu.memory_space<vmem>> -> memref<1x128x32xf32, #tpu.memory_space<vmem>>
        %dma_wait3A_242 = tpu.memref_squeeze %dma_wait3A_241 : memref<1x128x32xf32, #tpu.memory_space<vmem>> -> memref<128x32xf32, #tpu.memory_space<vmem>>
        %dma_wait3A_243 = arith.constant 0 : i32
        %dma_wait3A_244 = tpu.memref_slice %arg5[%dma_wait3A_238, %dma_wait3A_243] : memref<5x128xi32, #tpu.memory_space<vmem>> -> memref<1x128xi32, #tpu.memory_space<vmem>>
        %dma_wait3A_245 = tpu.memref_squeeze %dma_wait3A_244 : memref<1x128xi32, #tpu.memory_space<vmem>> -> memref<128xi32, #tpu.memory_space<vmem>>
        %dma_wait3A_246 = arith.constant 0 : i32
        %dma_wait3A_247 = arith.constant 0 : i32
        %dma_wait3A_248 = tpu.memref_slice %arg8[%dma_wait3A_246, %dma_wait3A_247] : memref<51200x32xf32, #tpu.memory_space<vmem_shared>> -> memref<51200x32xf32, #tpu.memory_space<vmem_shared>>
        tpu.wait_indirect_dma semaphore(%arg10 : memref<!tpu.dma_semaphore, #tpu.memory_space<semaphore_mem>>) src(%dma_wait3A_242 : memref<128x32xf32, #tpu.memory_space<vmem>>) dst(%dma_wait3A_248 : memref<51200x32xf32, #tpu.memory_space<vmem_shared>>)
        %dma_wait3A_249 = arith.constant 1 : i32
        %dma_wait3A_250 = arith.constant 1 : i32
        %dma_wait3A_251 = arith.constant 0 : i32
        %dma_wait3A_252 = arith.constant 0 : i32
        %dma_wait3A_253 = tpu.memref_slice %arg6[%dma_wait3A_249, %dma_wait3A_251, %dma_wait3A_252] : memref<5x128x32xf32, #tpu.memory_space<vmem>> -> memref<1x128x32xf32, #tpu.memory_space<vmem>>
        %dma_wait3A_254 = tpu.memref_squeeze %dma_wait3A_253 : memref<1x128x32xf32, #tpu.memory_space<vmem>> -> memref<128x32xf32, #tpu.memory_space<vmem>>
        %dma_wait3A_255 = arith.constant 0 : i32
        %dma_wait3A_256 = tpu.memref_slice %arg5[%dma_wait3A_250, %dma_wait3A_255] : memref<5x128xi32, #tpu.memory_space<vmem>> -> memref<1x128xi32, #tpu.memory_space<vmem>>
        %dma_wait3A_257 = tpu.memref_squeeze %dma_wait3A_256 : memref<1x128xi32, #tpu.memory_space<vmem>> -> memref<128xi32, #tpu.memory_space<vmem>>
        %dma_wait3A_258 = arith.constant 0 : i32
        %dma_wait3A_259 = arith.constant 0 : i32
        %dma_wait3A_260 = tpu.memref_slice %arg8[%dma_wait3A_258, %dma_wait3A_259] : memref<51200x32xf32, #tpu.memory_space<vmem_shared>> -> memref<51200x32xf32, #tpu.memory_space<vmem_shared>>
        tpu.wait_indirect_dma semaphore(%arg10 : memref<!tpu.dma_semaphore, #tpu.memory_space<semaphore_mem>>) src(%dma_wait3A_254 : memref<128x32xf32, #tpu.memory_space<vmem>>) dst(%dma_wait3A_260 : memref<51200x32xf32, #tpu.memory_space<vmem_shared>>)
        %dma_wait3A_261 = arith.constant 2 : i32
        %dma_wait3A_262 = arith.constant 2 : i32
        %dma_wait3A_263 = arith.constant 0 : i32
        %dma_wait3A_264 = arith.constant 0 : i32
        %dma_wait3A_265 = tpu.memref_slice %arg6[%dma_wait3A_261, %dma_wait3A_263, %dma_wait3A_264] : memref<5x128x32xf32, #tpu.memory_space<vmem>> -> memref<1x128x32xf32, #tpu.memory_space<vmem>>
        %dma_wait3A_266 = tpu.memref_squeeze %dma_wait3A_265 : memref<1x128x32xf32, #tpu.memory_space<vmem>> -> memref<128x32xf32, #tpu.memory_space<vmem>>
        %dma_wait3A_267 = arith.constant 0 : i32
        %dma_wait3A_268 = tpu.memref_slice %arg5[%dma_wait3A_262, %dma_wait3A_267] : memref<5x128xi32, #tpu.memory_space<vmem>> -> memref<1x128xi32, #tpu.memory_space<vmem>>
        %dma_wait3A_269 = tpu.memref_squeeze %dma_wait3A_268 : memref<1x128xi32, #tpu.memory_space<vmem>> -> memref<128xi32, #tpu.memory_space<vmem>>
        %dma_wait3A_270 = arith.constant 0 : i32
        %dma_wait3A_271 = arith.constant 0 : i32
        %dma_wait3A_272 = tpu.memref_slice %arg8[%dma_wait3A_270, %dma_wait3A_271] : memref<51200x32xf32, #tpu.memory_space<vmem_shared>> -> memref<51200x32xf32, #tpu.memory_space<vmem_shared>>
        tpu.wait_indirect_dma semaphore(%arg10 : memref<!tpu.dma_semaphore, #tpu.memory_space<semaphore_mem>>) src(%dma_wait3A_266 : memref<128x32xf32, #tpu.memory_space<vmem>>) dst(%dma_wait3A_272 : memref<51200x32xf32, #tpu.memory_space<vmem_shared>>)
        %dma_wait3A_273 = arith.constant 3 : i32
        %dma_wait3A_274 = arith.constant 3 : i32
        %dma_wait3A_275 = arith.constant 0 : i32
        %dma_wait3A_276 = arith.constant 0 : i32
        %dma_wait3A_277 = tpu.memref_slice %arg6[%dma_wait3A_273, %dma_wait3A_275, %dma_wait3A_276] : memref<5x128x32xf32, #tpu.memory_space<vmem>> -> memref<1x128x32xf32, #tpu.memory_space<vmem>>
        %dma_wait3A_278 = tpu.memref_squeeze %dma_wait3A_277 : memref<1x128x32xf32, #tpu.memory_space<vmem>> -> memref<128x32xf32, #tpu.memory_space<vmem>>
        %dma_wait3A_279 = arith.constant 0 : i32
        %dma_wait3A_280 = tpu.memref_slice %arg5[%dma_wait3A_274, %dma_wait3A_279] : memref<5x128xi32, #tpu.memory_space<vmem>> -> memref<1x128xi32, #tpu.memory_space<vmem>>
        %dma_wait3A_281 = tpu.memref_squeeze %dma_wait3A_280 : memref<1x128xi32, #tpu.memory_space<vmem>> -> memref<128xi32, #tpu.memory_space<vmem>>
        %dma_wait3A_282 = arith.constant 0 : i32
        %dma_wait3A_283 = arith.constant 0 : i32
        %dma_wait3A_284 = tpu.memref_slice %arg8[%dma_wait3A_282, %dma_wait3A_283] : memref<51200x32xf32, #tpu.memory_space<vmem_shared>> -> memref<51200x32xf32, #tpu.memory_space<vmem_shared>>
        tpu.wait_indirect_dma semaphore(%arg10 : memref<!tpu.dma_semaphore, #tpu.memory_space<semaphore_mem>>) src(%dma_wait3A_278 : memref<128x32xf32, #tpu.memory_space<vmem>>) dst(%dma_wait3A_284 : memref<51200x32xf32, #tpu.memory_space<vmem_shared>>)
        %dma_wait3A_285 = arith.constant 4 : i32
        %dma_wait3A_286 = arith.constant 4 : i32
        %dma_wait3A_287 = arith.constant 0 : i32
        %dma_wait3A_288 = arith.constant 0 : i32
        %dma_wait3A_289 = tpu.memref_slice %arg6[%dma_wait3A_285, %dma_wait3A_287, %dma_wait3A_288] : memref<5x128x32xf32, #tpu.memory_space<vmem>> -> memref<1x128x32xf32, #tpu.memory_space<vmem>>
        %dma_wait3A_290 = tpu.memref_squeeze %dma_wait3A_289 : memref<1x128x32xf32, #tpu.memory_space<vmem>> -> memref<128x32xf32, #tpu.memory_space<vmem>>
        %dma_wait3A_291 = arith.constant 0 : i32
        %dma_wait3A_292 = tpu.memref_slice %arg5[%dma_wait3A_286, %dma_wait3A_291] : memref<5x128xi32, #tpu.memory_space<vmem>> -> memref<1x128xi32, #tpu.memory_space<vmem>>
        %dma_wait3A_293 = tpu.memref_squeeze %dma_wait3A_292 : memref<1x128xi32, #tpu.memory_space<vmem>> -> memref<128xi32, #tpu.memory_space<vmem>>
        %dma_wait3A_294 = arith.constant 0 : i32
        %dma_wait3A_295 = arith.constant 0 : i32
        %dma_wait3A_296 = tpu.memref_slice %arg8[%dma_wait3A_294, %dma_wait3A_295] : memref<51200x32xf32, #tpu.memory_space<vmem_shared>> -> memref<51200x32xf32, #tpu.memory_space<vmem_shared>>
        tpu.wait_indirect_dma semaphore(%arg10 : memref<!tpu.dma_semaphore, #tpu.memory_space<semaphore_mem>>) src(%dma_wait3A_290 : memref<128x32xf32, #tpu.memory_space<vmem>>) dst(%dma_wait3A_296 : memref<51200x32xf32, #tpu.memory_space<vmem_shared>>)
      }
      %scan3A_18 = arith.constant 10 : i32
    } else {
    }
    %barrier3A_7 = arith.constant 0 : index
    tpu.barrier barrier_id(%barrier3A_7)
    %eq3A_8 = arith.constant 0 : i32
    %eq3A_9 = arith.cmpi eq, %arg0, %eq3A_8 : i32
    %convert_element_type3A_10 = arith.extui %eq3A_9 : i1 to i32
    %cond3A_11 = arith.constant 0 : i32
    %cond3A_12 = arith.cmpi ne, %convert_element_type3A_10, %cond3A_11 : i32
    scf.if %cond3A_12 {
      %mul3A = arith.constant 3125 : i32
      %mul3A_13 = arith.muli %arg1, %mul3A : i32
      %mul3A_14 = arith.constant 3125 : i32
      %mul3A_15 = arith.muli %arg1, %mul3A_14 : i32
      "tpu.region"() ({
        %run_scoped3A = tpu.sem_alloc : memref<!tpu.dma_semaphore, #tpu.memory_space<semaphore_mem>>
        %dma_start3A = arith.constant 0 : i32
        %dma_start3A_16 = tpu.memref_slice %arg4[%mul3A_15, %dma_start3A] : memref<50000x32xf32, #tpu.memory_space<hbm>> -> memref<3125x32xf32, #tpu.memory_space<hbm>>
        %dma_start3A_17 = arith.constant 0 : i32
        %dma_start3A_18 = tpu.memref_slice %arg8[%mul3A_13, %dma_start3A_17] : memref<51200x32xf32, #tpu.memory_space<vmem_shared>> -> memref<3125x32xf32, #tpu.memory_space<vmem_shared>>
        tpu.enqueue_dma source(%dma_start3A_18 : memref<3125x32xf32, #tpu.memory_space<vmem_shared>>) target(%dma_start3A_16 : memref<3125x32xf32, #tpu.memory_space<hbm>>) target_semaphore(%run_scoped3A : memref<!tpu.dma_semaphore, #tpu.memory_space<semaphore_mem>>)
        %dma_wait3A = arith.constant 0 : i32
        %dma_wait3A_19 = tpu.memref_slice %arg4[%mul3A_15, %dma_wait3A] : memref<50000x32xf32, #tpu.memory_space<hbm>> -> memref<3125x32xf32, #tpu.memory_space<hbm>>
        %dma_wait3A_20 = arith.constant 0 : i32
        %dma_wait3A_21 = tpu.memref_slice %arg8[%mul3A_13, %dma_wait3A_20] : memref<51200x32xf32, #tpu.memory_space<vmem_shared>> -> memref<3125x32xf32, #tpu.memory_space<vmem_shared>>
        tpu.wait_dma2 semaphore(%run_scoped3A : memref<!tpu.dma_semaphore, #tpu.memory_space<semaphore_mem>>) src(%dma_wait3A_21 : memref<3125x32xf32, #tpu.memory_space<vmem_shared>>) dst(%dma_wait3A_19 : memref<3125x32xf32, #tpu.memory_space<hbm>>)
        tpu.yield
      }) : () -> ()
    } else {
    }
    return
  }
}

#map = affine_map<(d0, d1) -> (0, 0)>
#map1 = affine_map<(d0, d1) -> (0)>
module attributes {stable_mosaic.version = 14 : i64} {
  func.func @k(%arg0: i32, %arg1: i32, %arg2: memref<50000x32xf32, #tpu.memory_space<hbm>>, %arg3: memref<102400xi32, #tpu.memory_space<hbm>>, %arg4: memref<102400x32xf32, #tpu.memory_space<hbm>>, %arg5: memref<3200xi32, #tpu.memory_space<vmem>>, %arg6: memref<5x128x32xf32, #tpu.memory_space<vmem>>, %arg7: memref<!tpu.dma_semaphore, #tpu.memory_space<semaphore_mem>>, %arg8: memref<!tpu.dma_semaphore, #tpu.memory_space<semaphore_mem>>) attributes {dimension_semantics = [#tpu.dimension_semantics<core_parallel>, #tpu.dimension_semantics<subcore_parallel>], iteration_bounds = array<i64: 2, 16>, scalar_prefetch = 0 : i64, scratch_operands = 4 : i64, tpu.core_type = #tpu.core_type<sc_vector_subcore>, window_params = [{transform_indices = #map}, {transform_indices = #map1}, {transform_indices = #map}]} {
    %mul3A = arith.constant 2 : i32
    %mul3A_0 = arith.muli %arg1, %mul3A : i32
    %add3A = arith.addi %mul3A_0, %arg0 : i32
    %mul3A_1 = arith.constant 3200 : i32
    %mul3A_2 = arith.muli %add3A, %mul3A_1 : i32
    "tpu.region"() ({
      %run_scoped3A = tpu.sem_alloc : memref<!tpu.dma_semaphore, #tpu.memory_space<semaphore_mem>>
      %dma_start3A = tpu.memref_slice %arg3[%mul3A_2] : memref<102400xi32, #tpu.memory_space<hbm>> -> memref<3200xi32, #tpu.memory_space<hbm>>
      %dma_start3A_8 = tpu.memref_slice %arg3[%mul3A_2] : memref<102400xi32, #tpu.memory_space<hbm>> -> memref<3200xi32, #tpu.memory_space<hbm>>
      tpu.enqueue_dma source(%dma_start3A_8 : memref<3200xi32, #tpu.memory_space<hbm>>) target(%arg5 : memref<3200xi32, #tpu.memory_space<vmem>>) target_semaphore(%run_scoped3A : memref<!tpu.dma_semaphore, #tpu.memory_space<semaphore_mem>>)
      %dma_wait3A = tpu.memref_slice %arg3[%mul3A_2] : memref<102400xi32, #tpu.memory_space<hbm>> -> memref<3200xi32, #tpu.memory_space<hbm>>
      %dma_wait3A_9 = tpu.memref_slice %arg3[%mul3A_2] : memref<102400xi32, #tpu.memory_space<hbm>> -> memref<3200xi32, #tpu.memory_space<hbm>>
      tpu.wait_dma2 semaphore(%run_scoped3A : memref<!tpu.dma_semaphore, #tpu.memory_space<semaphore_mem>>) src(%dma_wait3A_9 : memref<3200xi32, #tpu.memory_space<hbm>>) dst(%arg5 : memref<3200xi32, #tpu.memory_space<vmem>>)
      tpu.yield
    }) : () -> ()
    %scan3A = arith.constant 0 : i32
    %scan3A_3 = arith.constant 0 : i32
    %scan3A_4 = arith.constant 5 : i32
    %scan3A_5 = arith.addi %scan3A_3, %scan3A_4 : i32
    %scan3A_6 = arith.constant 1 : i32
    scf.for %scan3A_8 = %scan3A_3 to %scan3A_5 step %scan3A_6  : i32 {
      %mul3A_9 = arith.constant 5 : i32
      %mul3A_10 = arith.muli %scan3A_8, %mul3A_9 : i32
      %add3A_11 = arith.constant 0 : i32
      %add3A_12 = arith.addi %mul3A_10, %add3A_11 : i32
      %mul3A_13 = arith.constant 128 : i32
      %mul3A_14 = arith.muli %add3A_12, %mul3A_13 : i32
      %dma_start3A = arith.constant 0 : i32
      %dma_start3A_15 = arith.constant 0 : i32
      %dma_start3A_16 = arith.constant 0 : i32
      %dma_start3A_17 = tpu.memref_slice %arg6[%dma_start3A, %dma_start3A_15, %dma_start3A_16] : memref<5x128x32xf32, #tpu.memory_space<vmem>> -> memref<1x128x32xf32, #tpu.memory_space<vmem>>
      %dma_start3A_18 = tpu.memref_squeeze %dma_start3A_17 : memref<1x128x32xf32, #tpu.memory_space<vmem>> -> memref<128x32xf32, #tpu.memory_space<vmem>>
      %dma_start3A_19 = tpu.memref_slice %arg5[%mul3A_14] : memref<3200xi32, #tpu.memory_space<vmem>> -> memref<128xi32, #tpu.memory_space<vmem>>
      %dma_start3A_20 = arith.constant 0 : i32
      %dma_start3A_21 = arith.constant 0 : i32
      %dma_start3A_22 = tpu.memref_slice %arg2[%dma_start3A_20, %dma_start3A_21] : memref<50000x32xf32, #tpu.memory_space<hbm>> -> memref<50000x32xf32, #tpu.memory_space<hbm>>
      tpu.enqueue_indirect_dma source(%dma_start3A_22 : memref<50000x32xf32, #tpu.memory_space<hbm>>) target(%dma_start3A_18 : memref<128x32xf32, #tpu.memory_space<vmem>>) offsets(%dma_start3A_19 : memref<128xi32, #tpu.memory_space<vmem>>) semaphore(%arg7 : memref<!tpu.dma_semaphore, #tpu.memory_space<semaphore_mem>>)
      %add3A_23 = arith.constant 1 : i32
      %add3A_24 = arith.addi %mul3A_10, %add3A_23 : i32
      %mul3A_25 = arith.constant 128 : i32
      %mul3A_26 = arith.muli %add3A_24, %mul3A_25 : i32
      %dma_start3A_27 = arith.constant 1 : i32
      %dma_start3A_28 = arith.constant 0 : i32
      %dma_start3A_29 = arith.constant 0 : i32
      %dma_start3A_30 = tpu.memref_slice %arg6[%dma_start3A_27, %dma_start3A_28, %dma_start3A_29] : memref<5x128x32xf32, #tpu.memory_space<vmem>> -> memref<1x128x32xf32, #tpu.memory_space<vmem>>
      %dma_start3A_31 = tpu.memref_squeeze %dma_start3A_30 : memref<1x128x32xf32, #tpu.memory_space<vmem>> -> memref<128x32xf32, #tpu.memory_space<vmem>>
      %dma_start3A_32 = tpu.memref_slice %arg5[%mul3A_26] : memref<3200xi32, #tpu.memory_space<vmem>> -> memref<128xi32, #tpu.memory_space<vmem>>
      %dma_start3A_33 = arith.constant 0 : i32
      %dma_start3A_34 = arith.constant 0 : i32
      %dma_start3A_35 = tpu.memref_slice %arg2[%dma_start3A_33, %dma_start3A_34] : memref<50000x32xf32, #tpu.memory_space<hbm>> -> memref<50000x32xf32, #tpu.memory_space<hbm>>
      tpu.enqueue_indirect_dma source(%dma_start3A_35 : memref<50000x32xf32, #tpu.memory_space<hbm>>) target(%dma_start3A_31 : memref<128x32xf32, #tpu.memory_space<vmem>>) offsets(%dma_start3A_32 : memref<128xi32, #tpu.memory_space<vmem>>) semaphore(%arg7 : memref<!tpu.dma_semaphore, #tpu.memory_space<semaphore_mem>>)
      %add3A_36 = arith.constant 2 : i32
      %add3A_37 = arith.addi %mul3A_10, %add3A_36 : i32
      %mul3A_38 = arith.constant 128 : i32
      %mul3A_39 = arith.muli %add3A_37, %mul3A_38 : i32
      %dma_start3A_40 = arith.constant 2 : i32
      %dma_start3A_41 = arith.constant 0 : i32
      %dma_start3A_42 = arith.constant 0 : i32
      %dma_start3A_43 = tpu.memref_slice %arg6[%dma_start3A_40, %dma_start3A_41, %dma_start3A_42] : memref<5x128x32xf32, #tpu.memory_space<vmem>> -> memref<1x128x32xf32, #tpu.memory_space<vmem>>
      %dma_start3A_44 = tpu.memref_squeeze %dma_start3A_43 : memref<1x128x32xf32, #tpu.memory_space<vmem>> -> memref<128x32xf32, #tpu.memory_space<vmem>>
      %dma_start3A_45 = tpu.memref_slice %arg5[%mul3A_39] : memref<3200xi32, #tpu.memory_space<vmem>> -> memref<128xi32, #tpu.memory_space<vmem>>
      %dma_start3A_46 = arith.constant 0 : i32
      %dma_start3A_47 = arith.constant 0 : i32
      %dma_start3A_48 = tpu.memref_slice %arg2[%dma_start3A_46, %dma_start3A_47] : memref<50000x32xf32, #tpu.memory_space<hbm>> -> memref<50000x32xf32, #tpu.memory_space<hbm>>
      tpu.enqueue_indirect_dma source(%dma_start3A_48 : memref<50000x32xf32, #tpu.memory_space<hbm>>) target(%dma_start3A_44 : memref<128x32xf32, #tpu.memory_space<vmem>>) offsets(%dma_start3A_45 : memref<128xi32, #tpu.memory_space<vmem>>) semaphore(%arg7 : memref<!tpu.dma_semaphore, #tpu.memory_space<semaphore_mem>>)
      %add3A_49 = arith.constant 3 : i32
      %add3A_50 = arith.addi %mul3A_10, %add3A_49 : i32
      %mul3A_51 = arith.constant 128 : i32
      %mul3A_52 = arith.muli %add3A_50, %mul3A_51 : i32
      %dma_start3A_53 = arith.constant 3 : i32
      %dma_start3A_54 = arith.constant 0 : i32
      %dma_start3A_55 = arith.constant 0 : i32
      %dma_start3A_56 = tpu.memref_slice %arg6[%dma_start3A_53, %dma_start3A_54, %dma_start3A_55] : memref<5x128x32xf32, #tpu.memory_space<vmem>> -> memref<1x128x32xf32, #tpu.memory_space<vmem>>
      %dma_start3A_57 = tpu.memref_squeeze %dma_start3A_56 : memref<1x128x32xf32, #tpu.memory_space<vmem>> -> memref<128x32xf32, #tpu.memory_space<vmem>>
      %dma_start3A_58 = tpu.memref_slice %arg5[%mul3A_52] : memref<3200xi32, #tpu.memory_space<vmem>> -> memref<128xi32, #tpu.memory_space<vmem>>
      %dma_start3A_59 = arith.constant 0 : i32
      %dma_start3A_60 = arith.constant 0 : i32
      %dma_start3A_61 = tpu.memref_slice %arg2[%dma_start3A_59, %dma_start3A_60] : memref<50000x32xf32, #tpu.memory_space<hbm>> -> memref<50000x32xf32, #tpu.memory_space<hbm>>
      tpu.enqueue_indirect_dma source(%dma_start3A_61 : memref<50000x32xf32, #tpu.memory_space<hbm>>) target(%dma_start3A_57 : memref<128x32xf32, #tpu.memory_space<vmem>>) offsets(%dma_start3A_58 : memref<128xi32, #tpu.memory_space<vmem>>) semaphore(%arg7 : memref<!tpu.dma_semaphore, #tpu.memory_space<semaphore_mem>>)
      %add3A_62 = arith.constant 4 : i32
      %add3A_63 = arith.addi %mul3A_10, %add3A_62 : i32
      %mul3A_64 = arith.constant 128 : i32
      %mul3A_65 = arith.muli %add3A_63, %mul3A_64 : i32
      %dma_start3A_66 = arith.constant 4 : i32
      %dma_start3A_67 = arith.constant 0 : i32
      %dma_start3A_68 = arith.constant 0 : i32
      %dma_start3A_69 = tpu.memref_slice %arg6[%dma_start3A_66, %dma_start3A_67, %dma_start3A_68] : memref<5x128x32xf32, #tpu.memory_space<vmem>> -> memref<1x128x32xf32, #tpu.memory_space<vmem>>
      %dma_start3A_70 = tpu.memref_squeeze %dma_start3A_69 : memref<1x128x32xf32, #tpu.memory_space<vmem>> -> memref<128x32xf32, #tpu.memory_space<vmem>>
      %dma_start3A_71 = tpu.memref_slice %arg5[%mul3A_65] : memref<3200xi32, #tpu.memory_space<vmem>> -> memref<128xi32, #tpu.memory_space<vmem>>
      %dma_start3A_72 = arith.constant 0 : i32
      %dma_start3A_73 = arith.constant 0 : i32
      %dma_start3A_74 = tpu.memref_slice %arg2[%dma_start3A_72, %dma_start3A_73] : memref<50000x32xf32, #tpu.memory_space<hbm>> -> memref<50000x32xf32, #tpu.memory_space<hbm>>
      tpu.enqueue_indirect_dma source(%dma_start3A_74 : memref<50000x32xf32, #tpu.memory_space<hbm>>) target(%dma_start3A_70 : memref<128x32xf32, #tpu.memory_space<vmem>>) offsets(%dma_start3A_71 : memref<128xi32, #tpu.memory_space<vmem>>) semaphore(%arg7 : memref<!tpu.dma_semaphore, #tpu.memory_space<semaphore_mem>>)
      %dma_wait3A = arith.constant 0 : i32
      %dma_wait3A_75 = arith.constant 0 : i32
      %dma_wait3A_76 = arith.constant 0 : i32
      %dma_wait3A_77 = tpu.memref_slice %arg6[%dma_wait3A, %dma_wait3A_75, %dma_wait3A_76] : memref<5x128x32xf32, #tpu.memory_space<vmem>> -> memref<1x128x32xf32, #tpu.memory_space<vmem>>
      %dma_wait3A_78 = tpu.memref_squeeze %dma_wait3A_77 : memref<1x128x32xf32, #tpu.memory_space<vmem>> -> memref<128x32xf32, #tpu.memory_space<vmem>>
      %dma_wait3A_79 = tpu.memref_slice %arg5[%mul3A_14] : memref<3200xi32, #tpu.memory_space<vmem>> -> memref<128xi32, #tpu.memory_space<vmem>>
      %dma_wait3A_80 = arith.constant 0 : i32
      %dma_wait3A_81 = arith.constant 0 : i32
      %dma_wait3A_82 = tpu.memref_slice %arg2[%dma_wait3A_80, %dma_wait3A_81] : memref<50000x32xf32, #tpu.memory_space<hbm>> -> memref<50000x32xf32, #tpu.memory_space<hbm>>
      tpu.wait_indirect_dma semaphore(%arg7 : memref<!tpu.dma_semaphore, #tpu.memory_space<semaphore_mem>>) src(%dma_wait3A_82 : memref<50000x32xf32, #tpu.memory_space<hbm>>) dst(%dma_wait3A_78 : memref<128x32xf32, #tpu.memory_space<vmem>>)
      %dma_wait3A_83 = arith.constant 1 : i32
      %dma_wait3A_84 = arith.constant 0 : i32
      %dma_wait3A_85 = arith.constant 0 : i32
      %dma_wait3A_86 = tpu.memref_slice %arg6[%dma_wait3A_83, %dma_wait3A_84, %dma_wait3A_85] : memref<5x128x32xf32, #tpu.memory_space<vmem>> -> memref<1x128x32xf32, #tpu.memory_space<vmem>>
      %dma_wait3A_87 = tpu.memref_squeeze %dma_wait3A_86 : memref<1x128x32xf32, #tpu.memory_space<vmem>> -> memref<128x32xf32, #tpu.memory_space<vmem>>
      %dma_wait3A_88 = tpu.memref_slice %arg5[%mul3A_26] : memref<3200xi32, #tpu.memory_space<vmem>> -> memref<128xi32, #tpu.memory_space<vmem>>
      %dma_wait3A_89 = arith.constant 0 : i32
      %dma_wait3A_90 = arith.constant 0 : i32
      %dma_wait3A_91 = tpu.memref_slice %arg2[%dma_wait3A_89, %dma_wait3A_90] : memref<50000x32xf32, #tpu.memory_space<hbm>> -> memref<50000x32xf32, #tpu.memory_space<hbm>>
      tpu.wait_indirect_dma semaphore(%arg7 : memref<!tpu.dma_semaphore, #tpu.memory_space<semaphore_mem>>) src(%dma_wait3A_91 : memref<50000x32xf32, #tpu.memory_space<hbm>>) dst(%dma_wait3A_87 : memref<128x32xf32, #tpu.memory_space<vmem>>)
      %dma_wait3A_92 = arith.constant 2 : i32
      %dma_wait3A_93 = arith.constant 0 : i32
      %dma_wait3A_94 = arith.constant 0 : i32
      %dma_wait3A_95 = tpu.memref_slice %arg6[%dma_wait3A_92, %dma_wait3A_93, %dma_wait3A_94] : memref<5x128x32xf32, #tpu.memory_space<vmem>> -> memref<1x128x32xf32, #tpu.memory_space<vmem>>
      %dma_wait3A_96 = tpu.memref_squeeze %dma_wait3A_95 : memref<1x128x32xf32, #tpu.memory_space<vmem>> -> memref<128x32xf32, #tpu.memory_space<vmem>>
      %dma_wait3A_97 = tpu.memref_slice %arg5[%mul3A_39] : memref<3200xi32, #tpu.memory_space<vmem>> -> memref<128xi32, #tpu.memory_space<vmem>>
      %dma_wait3A_98 = arith.constant 0 : i32
      %dma_wait3A_99 = arith.constant 0 : i32
      %dma_wait3A_100 = tpu.memref_slice %arg2[%dma_wait3A_98, %dma_wait3A_99] : memref<50000x32xf32, #tpu.memory_space<hbm>> -> memref<50000x32xf32, #tpu.memory_space<hbm>>
      tpu.wait_indirect_dma semaphore(%arg7 : memref<!tpu.dma_semaphore, #tpu.memory_space<semaphore_mem>>) src(%dma_wait3A_100 : memref<50000x32xf32, #tpu.memory_space<hbm>>) dst(%dma_wait3A_96 : memref<128x32xf32, #tpu.memory_space<vmem>>)
      %dma_wait3A_101 = arith.constant 3 : i32
      %dma_wait3A_102 = arith.constant 0 : i32
      %dma_wait3A_103 = arith.constant 0 : i32
      %dma_wait3A_104 = tpu.memref_slice %arg6[%dma_wait3A_101, %dma_wait3A_102, %dma_wait3A_103] : memref<5x128x32xf32, #tpu.memory_space<vmem>> -> memref<1x128x32xf32, #tpu.memory_space<vmem>>
      %dma_wait3A_105 = tpu.memref_squeeze %dma_wait3A_104 : memref<1x128x32xf32, #tpu.memory_space<vmem>> -> memref<128x32xf32, #tpu.memory_space<vmem>>
      %dma_wait3A_106 = tpu.memref_slice %arg5[%mul3A_52] : memref<3200xi32, #tpu.memory_space<vmem>> -> memref<128xi32, #tpu.memory_space<vmem>>
      %dma_wait3A_107 = arith.constant 0 : i32
      %dma_wait3A_108 = arith.constant 0 : i32
      %dma_wait3A_109 = tpu.memref_slice %arg2[%dma_wait3A_107, %dma_wait3A_108] : memref<50000x32xf32, #tpu.memory_space<hbm>> -> memref<50000x32xf32, #tpu.memory_space<hbm>>
      tpu.wait_indirect_dma semaphore(%arg7 : memref<!tpu.dma_semaphore, #tpu.memory_space<semaphore_mem>>) src(%dma_wait3A_109 : memref<50000x32xf32, #tpu.memory_space<hbm>>) dst(%dma_wait3A_105 : memref<128x32xf32, #tpu.memory_space<vmem>>)
      %dma_wait3A_110 = arith.constant 4 : i32
      %dma_wait3A_111 = arith.constant 0 : i32
      %dma_wait3A_112 = arith.constant 0 : i32
      %dma_wait3A_113 = tpu.memref_slice %arg6[%dma_wait3A_110, %dma_wait3A_111, %dma_wait3A_112] : memref<5x128x32xf32, #tpu.memory_space<vmem>> -> memref<1x128x32xf32, #tpu.memory_space<vmem>>
      %dma_wait3A_114 = tpu.memref_squeeze %dma_wait3A_113 : memref<1x128x32xf32, #tpu.memory_space<vmem>> -> memref<128x32xf32, #tpu.memory_space<vmem>>
      %dma_wait3A_115 = tpu.memref_slice %arg5[%mul3A_65] : memref<3200xi32, #tpu.memory_space<vmem>> -> memref<128xi32, #tpu.memory_space<vmem>>
      %dma_wait3A_116 = arith.constant 0 : i32
      %dma_wait3A_117 = arith.constant 0 : i32
      %dma_wait3A_118 = tpu.memref_slice %arg2[%dma_wait3A_116, %dma_wait3A_117] : memref<50000x32xf32, #tpu.memory_space<hbm>> -> memref<50000x32xf32, #tpu.memory_space<hbm>>
      tpu.wait_indirect_dma semaphore(%arg7 : memref<!tpu.dma_semaphore, #tpu.memory_space<semaphore_mem>>) src(%dma_wait3A_118 : memref<50000x32xf32, #tpu.memory_space<hbm>>) dst(%dma_wait3A_114 : memref<128x32xf32, #tpu.memory_space<vmem>>)
      %add3A_119 = arith.constant 0 : i32
      %add3A_120 = arith.addi %mul3A_10, %add3A_119 : i32
      %mul3A_121 = arith.constant 128 : i32
      %mul3A_122 = arith.muli %add3A_120, %mul3A_121 : i32
      %add3A_123 = arith.addi %mul3A_2, %mul3A_122 : i32
      %dma_start3A_124 = arith.constant 0 : i32
      %dma_start3A_125 = arith.constant 0 : i32
      %dma_start3A_126 = arith.constant 0 : i32
      %dma_start3A_127 = tpu.memref_slice %arg6[%dma_start3A_124, %dma_start3A_125, %dma_start3A_126] : memref<5x128x32xf32, #tpu.memory_space<vmem>> -> memref<1x128x32xf32, #tpu.memory_space<vmem>>
      %dma_start3A_128 = tpu.memref_squeeze %dma_start3A_127 : memref<1x128x32xf32, #tpu.memory_space<vmem>> -> memref<128x32xf32, #tpu.memory_space<vmem>>
      %dma_start3A_129 = arith.constant 0 : i32
      %dma_start3A_130 = tpu.memref_slice %arg4[%add3A_123, %dma_start3A_129] : memref<102400x32xf32, #tpu.memory_space<hbm>> -> memref<128x32xf32, #tpu.memory_space<hbm>>
      %dma_start3A_131 = arith.constant 0 : i32
      %dma_start3A_132 = tpu.memref_slice %arg4[%add3A_123, %dma_start3A_131] : memref<102400x32xf32, #tpu.memory_space<hbm>> -> memref<128x32xf32, #tpu.memory_space<hbm>>
      %dma_start3A_133 = arith.constant 0 : i32
      %dma_start3A_134 = arith.constant 0 : i32
      %dma_start3A_135 = tpu.memref_slice %arg6[%dma_start3A_124, %dma_start3A_133, %dma_start3A_134] : memref<5x128x32xf32, #tpu.memory_space<vmem>> -> memref<1x128x32xf32, #tpu.memory_space<vmem>>
      %dma_start3A_136 = tpu.memref_squeeze %dma_start3A_135 : memref<1x128x32xf32, #tpu.memory_space<vmem>> -> memref<128x32xf32, #tpu.memory_space<vmem>>
      tpu.enqueue_dma source(%dma_start3A_136 : memref<128x32xf32, #tpu.memory_space<vmem>>) target(%dma_start3A_132 : memref<128x32xf32, #tpu.memory_space<hbm>>) target_semaphore(%arg8 : memref<!tpu.dma_semaphore, #tpu.memory_space<semaphore_mem>>)
      %add3A_137 = arith.constant 1 : i32
      %add3A_138 = arith.addi %mul3A_10, %add3A_137 : i32
      %mul3A_139 = arith.constant 128 : i32
      %mul3A_140 = arith.muli %add3A_138, %mul3A_139 : i32
      %add3A_141 = arith.addi %mul3A_2, %mul3A_140 : i32
      %dma_start3A_142 = arith.constant 1 : i32
      %dma_start3A_143 = arith.constant 0 : i32
      %dma_start3A_144 = arith.constant 0 : i32
      %dma_start3A_145 = tpu.memref_slice %arg6[%dma_start3A_142, %dma_start3A_143, %dma_start3A_144] : memref<5x128x32xf32, #tpu.memory_space<vmem>> -> memref<1x128x32xf32, #tpu.memory_space<vmem>>
      %dma_start3A_146 = tpu.memref_squeeze %dma_start3A_145 : memref<1x128x32xf32, #tpu.memory_space<vmem>> -> memref<128x32xf32, #tpu.memory_space<vmem>>
      %dma_start3A_147 = arith.constant 0 : i32
      %dma_start3A_148 = tpu.memref_slice %arg4[%add3A_141, %dma_start3A_147] : memref<102400x32xf32, #tpu.memory_space<hbm>> -> memref<128x32xf32, #tpu.memory_space<hbm>>
      %dma_start3A_149 = arith.constant 0 : i32
      %dma_start3A_150 = tpu.memref_slice %arg4[%add3A_141, %dma_start3A_149] : memref<102400x32xf32, #tpu.memory_space<hbm>> -> memref<128x32xf32, #tpu.memory_space<hbm>>
      %dma_start3A_151 = arith.constant 0 : i32
      %dma_start3A_152 = arith.constant 0 : i32
      %dma_start3A_153 = tpu.memref_slice %arg6[%dma_start3A_142, %dma_start3A_151, %dma_start3A_152] : memref<5x128x32xf32, #tpu.memory_space<vmem>> -> memref<1x128x32xf32, #tpu.memory_space<vmem>>
      %dma_start3A_154 = tpu.memref_squeeze %dma_start3A_153 : memref<1x128x32xf32, #tpu.memory_space<vmem>> -> memref<128x32xf32, #tpu.memory_space<vmem>>
      tpu.enqueue_dma source(%dma_start3A_154 : memref<128x32xf32, #tpu.memory_space<vmem>>) target(%dma_start3A_150 : memref<128x32xf32, #tpu.memory_space<hbm>>) target_semaphore(%arg8 : memref<!tpu.dma_semaphore, #tpu.memory_space<semaphore_mem>>)
      %add3A_155 = arith.constant 2 : i32
      %add3A_156 = arith.addi %mul3A_10, %add3A_155 : i32
      %mul3A_157 = arith.constant 128 : i32
      %mul3A_158 = arith.muli %add3A_156, %mul3A_157 : i32
      %add3A_159 = arith.addi %mul3A_2, %mul3A_158 : i32
      %dma_start3A_160 = arith.constant 2 : i32
      %dma_start3A_161 = arith.constant 0 : i32
      %dma_start3A_162 = arith.constant 0 : i32
      %dma_start3A_163 = tpu.memref_slice %arg6[%dma_start3A_160, %dma_start3A_161, %dma_start3A_162] : memref<5x128x32xf32, #tpu.memory_space<vmem>> -> memref<1x128x32xf32, #tpu.memory_space<vmem>>
      %dma_start3A_164 = tpu.memref_squeeze %dma_start3A_163 : memref<1x128x32xf32, #tpu.memory_space<vmem>> -> memref<128x32xf32, #tpu.memory_space<vmem>>
      %dma_start3A_165 = arith.constant 0 : i32
      %dma_start3A_166 = tpu.memref_slice %arg4[%add3A_159, %dma_start3A_165] : memref<102400x32xf32, #tpu.memory_space<hbm>> -> memref<128x32xf32, #tpu.memory_space<hbm>>
      %dma_start3A_167 = arith.constant 0 : i32
      %dma_start3A_168 = tpu.memref_slice %arg4[%add3A_159, %dma_start3A_167] : memref<102400x32xf32, #tpu.memory_space<hbm>> -> memref<128x32xf32, #tpu.memory_space<hbm>>
      %dma_start3A_169 = arith.constant 0 : i32
      %dma_start3A_170 = arith.constant 0 : i32
      %dma_start3A_171 = tpu.memref_slice %arg6[%dma_start3A_160, %dma_start3A_169, %dma_start3A_170] : memref<5x128x32xf32, #tpu.memory_space<vmem>> -> memref<1x128x32xf32, #tpu.memory_space<vmem>>
      %dma_start3A_172 = tpu.memref_squeeze %dma_start3A_171 : memref<1x128x32xf32, #tpu.memory_space<vmem>> -> memref<128x32xf32, #tpu.memory_space<vmem>>
      tpu.enqueue_dma source(%dma_start3A_172 : memref<128x32xf32, #tpu.memory_space<vmem>>) target(%dma_start3A_168 : memref<128x32xf32, #tpu.memory_space<hbm>>) target_semaphore(%arg8 : memref<!tpu.dma_semaphore, #tpu.memory_space<semaphore_mem>>)
      %add3A_173 = arith.constant 3 : i32
      %add3A_174 = arith.addi %mul3A_10, %add3A_173 : i32
      %mul3A_175 = arith.constant 128 : i32
      %mul3A_176 = arith.muli %add3A_174, %mul3A_175 : i32
      %add3A_177 = arith.addi %mul3A_2, %mul3A_176 : i32
      %dma_start3A_178 = arith.constant 3 : i32
      %dma_start3A_179 = arith.constant 0 : i32
      %dma_start3A_180 = arith.constant 0 : i32
      %dma_start3A_181 = tpu.memref_slice %arg6[%dma_start3A_178, %dma_start3A_179, %dma_start3A_180] : memref<5x128x32xf32, #tpu.memory_space<vmem>> -> memref<1x128x32xf32, #tpu.memory_space<vmem>>
      %dma_start3A_182 = tpu.memref_squeeze %dma_start3A_181 : memref<1x128x32xf32, #tpu.memory_space<vmem>> -> memref<128x32xf32, #tpu.memory_space<vmem>>
      %dma_start3A_183 = arith.constant 0 : i32
      %dma_start3A_184 = tpu.memref_slice %arg4[%add3A_177, %dma_start3A_183] : memref<102400x32xf32, #tpu.memory_space<hbm>> -> memref<128x32xf32, #tpu.memory_space<hbm>>
      %dma_start3A_185 = arith.constant 0 : i32
      %dma_start3A_186 = tpu.memref_slice %arg4[%add3A_177, %dma_start3A_185] : memref<102400x32xf32, #tpu.memory_space<hbm>> -> memref<128x32xf32, #tpu.memory_space<hbm>>
      %dma_start3A_187 = arith.constant 0 : i32
      %dma_start3A_188 = arith.constant 0 : i32
      %dma_start3A_189 = tpu.memref_slice %arg6[%dma_start3A_178, %dma_start3A_187, %dma_start3A_188] : memref<5x128x32xf32, #tpu.memory_space<vmem>> -> memref<1x128x32xf32, #tpu.memory_space<vmem>>
      %dma_start3A_190 = tpu.memref_squeeze %dma_start3A_189 : memref<1x128x32xf32, #tpu.memory_space<vmem>> -> memref<128x32xf32, #tpu.memory_space<vmem>>
      tpu.enqueue_dma source(%dma_start3A_190 : memref<128x32xf32, #tpu.memory_space<vmem>>) target(%dma_start3A_186 : memref<128x32xf32, #tpu.memory_space<hbm>>) target_semaphore(%arg8 : memref<!tpu.dma_semaphore, #tpu.memory_space<semaphore_mem>>)
      %add3A_191 = arith.constant 4 : i32
      %add3A_192 = arith.addi %mul3A_10, %add3A_191 : i32
      %mul3A_193 = arith.constant 128 : i32
      %mul3A_194 = arith.muli %add3A_192, %mul3A_193 : i32
      %add3A_195 = arith.addi %mul3A_2, %mul3A_194 : i32
      %dma_start3A_196 = arith.constant 4 : i32
      %dma_start3A_197 = arith.constant 0 : i32
      %dma_start3A_198 = arith.constant 0 : i32
      %dma_start3A_199 = tpu.memref_slice %arg6[%dma_start3A_196, %dma_start3A_197, %dma_start3A_198] : memref<5x128x32xf32, #tpu.memory_space<vmem>> -> memref<1x128x32xf32, #tpu.memory_space<vmem>>
      %dma_start3A_200 = tpu.memref_squeeze %dma_start3A_199 : memref<1x128x32xf32, #tpu.memory_space<vmem>> -> memref<128x32xf32, #tpu.memory_space<vmem>>
      %dma_start3A_201 = arith.constant 0 : i32
      %dma_start3A_202 = tpu.memref_slice %arg4[%add3A_195, %dma_start3A_201] : memref<102400x32xf32, #tpu.memory_space<hbm>> -> memref<128x32xf32, #tpu.memory_space<hbm>>
      %dma_start3A_203 = arith.constant 0 : i32
      %dma_start3A_204 = tpu.memref_slice %arg4[%add3A_195, %dma_start3A_203] : memref<102400x32xf32, #tpu.memory_space<hbm>> -> memref<128x32xf32, #tpu.memory_space<hbm>>
      %dma_start3A_205 = arith.constant 0 : i32
      %dma_start3A_206 = arith.constant 0 : i32
      %dma_start3A_207 = tpu.memref_slice %arg6[%dma_start3A_196, %dma_start3A_205, %dma_start3A_206] : memref<5x128x32xf32, #tpu.memory_space<vmem>> -> memref<1x128x32xf32, #tpu.memory_space<vmem>>
      %dma_start3A_208 = tpu.memref_squeeze %dma_start3A_207 : memref<1x128x32xf32, #tpu.memory_space<vmem>> -> memref<128x32xf32, #tpu.memory_space<vmem>>
      tpu.enqueue_dma source(%dma_start3A_208 : memref<128x32xf32, #tpu.memory_space<vmem>>) target(%dma_start3A_204 : memref<128x32xf32, #tpu.memory_space<hbm>>) target_semaphore(%arg8 : memref<!tpu.dma_semaphore, #tpu.memory_space<semaphore_mem>>)
      %dma_wait3A_209 = arith.constant 0 : i32
      %dma_wait3A_210 = arith.constant 0 : i32
      %dma_wait3A_211 = arith.constant 0 : i32
      %dma_wait3A_212 = tpu.memref_slice %arg6[%dma_wait3A_209, %dma_wait3A_210, %dma_wait3A_211] : memref<5x128x32xf32, #tpu.memory_space<vmem>> -> memref<1x128x32xf32, #tpu.memory_space<vmem>>
      %dma_wait3A_213 = tpu.memref_squeeze %dma_wait3A_212 : memref<1x128x32xf32, #tpu.memory_space<vmem>> -> memref<128x32xf32, #tpu.memory_space<vmem>>
      %dma_wait3A_214 = arith.constant 0 : i32
      %dma_wait3A_215 = tpu.memref_slice %arg4[%add3A_123, %dma_wait3A_214] : memref<102400x32xf32, #tpu.memory_space<hbm>> -> memref<128x32xf32, #tpu.memory_space<hbm>>
      %dma_wait3A_216 = arith.constant 0 : i32
      %dma_wait3A_217 = tpu.memref_slice %arg4[%add3A_123, %dma_wait3A_216] : memref<102400x32xf32, #tpu.memory_space<hbm>> -> memref<128x32xf32, #tpu.memory_space<hbm>>
      %dma_wait3A_218 = arith.constant 0 : i32
      %dma_wait3A_219 = arith.constant 0 : i32
      %dma_wait3A_220 = tpu.memref_slice %arg6[%dma_wait3A_209, %dma_wait3A_218, %dma_wait3A_219] : memref<5x128x32xf32, #tpu.memory_space<vmem>> -> memref<1x128x32xf32, #tpu.memory_space<vmem>>
      %dma_wait3A_221 = tpu.memref_squeeze %dma_wait3A_220 : memref<1x128x32xf32, #tpu.memory_space<vmem>> -> memref<128x32xf32, #tpu.memory_space<vmem>>
      tpu.wait_dma2 semaphore(%arg8 : memref<!tpu.dma_semaphore, #tpu.memory_space<semaphore_mem>>) src(%dma_wait3A_221 : memref<128x32xf32, #tpu.memory_space<vmem>>) dst(%dma_wait3A_217 : memref<128x32xf32, #tpu.memory_space<hbm>>)
      %dma_wait3A_222 = arith.constant 1 : i32
      %dma_wait3A_223 = arith.constant 0 : i32
      %dma_wait3A_224 = arith.constant 0 : i32
      %dma_wait3A_225 = tpu.memref_slice %arg6[%dma_wait3A_222, %dma_wait3A_223, %dma_wait3A_224] : memref<5x128x32xf32, #tpu.memory_space<vmem>> -> memref<1x128x32xf32, #tpu.memory_space<vmem>>
      %dma_wait3A_226 = tpu.memref_squeeze %dma_wait3A_225 : memref<1x128x32xf32, #tpu.memory_space<vmem>> -> memref<128x32xf32, #tpu.memory_space<vmem>>
      %dma_wait3A_227 = arith.constant 0 : i32
      %dma_wait3A_228 = tpu.memref_slice %arg4[%add3A_141, %dma_wait3A_227] : memref<102400x32xf32, #tpu.memory_space<hbm>> -> memref<128x32xf32, #tpu.memory_space<hbm>>
      %dma_wait3A_229 = arith.constant 0 : i32
      %dma_wait3A_230 = tpu.memref_slice %arg4[%add3A_141, %dma_wait3A_229] : memref<102400x32xf32, #tpu.memory_space<hbm>> -> memref<128x32xf32, #tpu.memory_space<hbm>>
      %dma_wait3A_231 = arith.constant 0 : i32
      %dma_wait3A_232 = arith.constant 0 : i32
      %dma_wait3A_233 = tpu.memref_slice %arg6[%dma_wait3A_222, %dma_wait3A_231, %dma_wait3A_232] : memref<5x128x32xf32, #tpu.memory_space<vmem>> -> memref<1x128x32xf32, #tpu.memory_space<vmem>>
      %dma_wait3A_234 = tpu.memref_squeeze %dma_wait3A_233 : memref<1x128x32xf32, #tpu.memory_space<vmem>> -> memref<128x32xf32, #tpu.memory_space<vmem>>
      tpu.wait_dma2 semaphore(%arg8 : memref<!tpu.dma_semaphore, #tpu.memory_space<semaphore_mem>>) src(%dma_wait3A_234 : memref<128x32xf32, #tpu.memory_space<vmem>>) dst(%dma_wait3A_230 : memref<128x32xf32, #tpu.memory_space<hbm>>)
      %dma_wait3A_235 = arith.constant 2 : i32
      %dma_wait3A_236 = arith.constant 0 : i32
      %dma_wait3A_237 = arith.constant 0 : i32
      %dma_wait3A_238 = tpu.memref_slice %arg6[%dma_wait3A_235, %dma_wait3A_236, %dma_wait3A_237] : memref<5x128x32xf32, #tpu.memory_space<vmem>> -> memref<1x128x32xf32, #tpu.memory_space<vmem>>
      %dma_wait3A_239 = tpu.memref_squeeze %dma_wait3A_238 : memref<1x128x32xf32, #tpu.memory_space<vmem>> -> memref<128x32xf32, #tpu.memory_space<vmem>>
      %dma_wait3A_240 = arith.constant 0 : i32
      %dma_wait3A_241 = tpu.memref_slice %arg4[%add3A_159, %dma_wait3A_240] : memref<102400x32xf32, #tpu.memory_space<hbm>> -> memref<128x32xf32, #tpu.memory_space<hbm>>
      %dma_wait3A_242 = arith.constant 0 : i32
      %dma_wait3A_243 = tpu.memref_slice %arg4[%add3A_159, %dma_wait3A_242] : memref<102400x32xf32, #tpu.memory_space<hbm>> -> memref<128x32xf32, #tpu.memory_space<hbm>>
      %dma_wait3A_244 = arith.constant 0 : i32
      %dma_wait3A_245 = arith.constant 0 : i32
      %dma_wait3A_246 = tpu.memref_slice %arg6[%dma_wait3A_235, %dma_wait3A_244, %dma_wait3A_245] : memref<5x128x32xf32, #tpu.memory_space<vmem>> -> memref<1x128x32xf32, #tpu.memory_space<vmem>>
      %dma_wait3A_247 = tpu.memref_squeeze %dma_wait3A_246 : memref<1x128x32xf32, #tpu.memory_space<vmem>> -> memref<128x32xf32, #tpu.memory_space<vmem>>
      tpu.wait_dma2 semaphore(%arg8 : memref<!tpu.dma_semaphore, #tpu.memory_space<semaphore_mem>>) src(%dma_wait3A_247 : memref<128x32xf32, #tpu.memory_space<vmem>>) dst(%dma_wait3A_243 : memref<128x32xf32, #tpu.memory_space<hbm>>)
      %dma_wait3A_248 = arith.constant 3 : i32
      %dma_wait3A_249 = arith.constant 0 : i32
      %dma_wait3A_250 = arith.constant 0 : i32
      %dma_wait3A_251 = tpu.memref_slice %arg6[%dma_wait3A_248, %dma_wait3A_249, %dma_wait3A_250] : memref<5x128x32xf32, #tpu.memory_space<vmem>> -> memref<1x128x32xf32, #tpu.memory_space<vmem>>
      %dma_wait3A_252 = tpu.memref_squeeze %dma_wait3A_251 : memref<1x128x32xf32, #tpu.memory_space<vmem>> -> memref<128x32xf32, #tpu.memory_space<vmem>>
      %dma_wait3A_253 = arith.constant 0 : i32
      %dma_wait3A_254 = tpu.memref_slice %arg4[%add3A_177, %dma_wait3A_253] : memref<102400x32xf32, #tpu.memory_space<hbm>> -> memref<128x32xf32, #tpu.memory_space<hbm>>
      %dma_wait3A_255 = arith.constant 0 : i32
      %dma_wait3A_256 = tpu.memref_slice %arg4[%add3A_177, %dma_wait3A_255] : memref<102400x32xf32, #tpu.memory_space<hbm>> -> memref<128x32xf32, #tpu.memory_space<hbm>>
      %dma_wait3A_257 = arith.constant 0 : i32
      %dma_wait3A_258 = arith.constant 0 : i32
      %dma_wait3A_259 = tpu.memref_slice %arg6[%dma_wait3A_248, %dma_wait3A_257, %dma_wait3A_258] : memref<5x128x32xf32, #tpu.memory_space<vmem>> -> memref<1x128x32xf32, #tpu.memory_space<vmem>>
      %dma_wait3A_260 = tpu.memref_squeeze %dma_wait3A_259 : memref<1x128x32xf32, #tpu.memory_space<vmem>> -> memref<128x32xf32, #tpu.memory_space<vmem>>
      tpu.wait_dma2 semaphore(%arg8 : memref<!tpu.dma_semaphore, #tpu.memory_space<semaphore_mem>>) src(%dma_wait3A_260 : memref<128x32xf32, #tpu.memory_space<vmem>>) dst(%dma_wait3A_256 : memref<128x32xf32, #tpu.memory_space<hbm>>)
      %dma_wait3A_261 = arith.constant 4 : i32
      %dma_wait3A_262 = arith.constant 0 : i32
      %dma_wait3A_263 = arith.constant 0 : i32
      %dma_wait3A_264 = tpu.memref_slice %arg6[%dma_wait3A_261, %dma_wait3A_262, %dma_wait3A_263] : memref<5x128x32xf32, #tpu.memory_space<vmem>> -> memref<1x128x32xf32, #tpu.memory_space<vmem>>
      %dma_wait3A_265 = tpu.memref_squeeze %dma_wait3A_264 : memref<1x128x32xf32, #tpu.memory_space<vmem>> -> memref<128x32xf32, #tpu.memory_space<vmem>>
      %dma_wait3A_266 = arith.constant 0 : i32
      %dma_wait3A_267 = tpu.memref_slice %arg4[%add3A_195, %dma_wait3A_266] : memref<102400x32xf32, #tpu.memory_space<hbm>> -> memref<128x32xf32, #tpu.memory_space<hbm>>
      %dma_wait3A_268 = arith.constant 0 : i32
      %dma_wait3A_269 = tpu.memref_slice %arg4[%add3A_195, %dma_wait3A_268] : memref<102400x32xf32, #tpu.memory_space<hbm>> -> memref<128x32xf32, #tpu.memory_space<hbm>>
      %dma_wait3A_270 = arith.constant 0 : i32
      %dma_wait3A_271 = arith.constant 0 : i32
      %dma_wait3A_272 = tpu.memref_slice %arg6[%dma_wait3A_261, %dma_wait3A_270, %dma_wait3A_271] : memref<5x128x32xf32, #tpu.memory_space<vmem>> -> memref<1x128x32xf32, #tpu.memory_space<vmem>>
      %dma_wait3A_273 = tpu.memref_squeeze %dma_wait3A_272 : memref<1x128x32xf32, #tpu.memory_space<vmem>> -> memref<128x32xf32, #tpu.memory_space<vmem>>
      tpu.wait_dma2 semaphore(%arg8 : memref<!tpu.dma_semaphore, #tpu.memory_space<semaphore_mem>>) src(%dma_wait3A_273 : memref<128x32xf32, #tpu.memory_space<vmem>>) dst(%dma_wait3A_269 : memref<128x32xf32, #tpu.memory_space<hbm>>)
    }
    %scan3A_7 = arith.constant 5 : i32
    return
  }
}

module attributes {stable_mosaic.version = 14 : i64} {
  func.func @body(%arg0: i32, %arg1: memref<4x16x256xf32, #tpu.memory_space<vmem>>, %arg2: memref<256x128xf32, #tpu.memory_space<vmem>>, %arg3: memref<544x32xf32, #tpu.memory_space<vmem>>, %arg4: memref<256x128xf32, #tpu.memory_space<vmem>>) attributes {dimension_semantics = [#tpu.dimension_semantics<arbitrary>], iteration_bounds = array<i64: 100>, scalar_prefetch = 0 : i64, scratch_operands = 0 : i64, tpu.core_type = #tpu.core_type<tc>, window_params = [{transform_indices = @transform_0, window_bounds = array<i64: 4, 16, 256>}, {transform_indices = @transform_1, window_bounds = array<i64: 256, 128>}, {pipeline_mode = #tpu.pipeline_mode<synchronous>, transform_indices = @transform_2, window_bounds = array<i64: 544, 32>}, {transform_indices = @transform_3, window_bounds = array<i64: 256, 128>}]} {
    %get3A = arith.constant 0 : index
    %get3A_0 = arith.constant 0 : index
    %get3A_1 = vector.load %arg2[%get3A, %get3A_0] : memref<256x128xf32, #tpu.memory_space<vmem>>, vector<256x128xf32>
    %get3A_2 = arith.constant 0 : index
    %get3A_3 = arith.constant 0 : index
    %get3A_4 = arith.constant 0 : index
    %get3A_5 = vector.load %arg1[%get3A_2, %get3A_3, %get3A_4] : memref<4x16x256xf32, #tpu.memory_space<vmem>>, vector<4x16x256xf32>
    %slice3A = vector.extract_strided_slice %get3A_1 {offsets = [0, 0], sizes = [256, 32], strides = [1, 1]} : vector<256x128xf32> to vector<256x32xf32>
    %get3A_6 = arith.constant 0 : index
    %get3A_7 = arith.constant 0 : index
    %get3A_8 = vector.load %arg3[%get3A_6, %get3A_7] : memref<544x32xf32, #tpu.memory_space<vmem>>, vector<544x32xf32>
    %dot_general3A = arith.constant dense<0.000000e+00> : vector<544x256xf32>
    %dot_general3A_9 = tpu.matmul %get3A_8, %slice3A, %dot_general3A {dimension_numbers = #tpu.dot_dimension_numbers<[1], [1], [0], [0], [0, 0, 1, 0], [], []>, transpose_lhs_hint = false} : vector<544x32xf32>, vector<256x32xf32>, vector<544x256xf32> -> vector<544x256xf32>
    %slice3A_10 = vector.extract_strided_slice %get3A_5 {offsets = [0, 0, 0], sizes = [1, 16, 256], strides = [1, 1, 1]} : vector<4x16x256xf32> to vector<1x16x256xf32>
    %squeeze3A = vector.shape_cast %slice3A_10 : vector<1x16x256xf32> to vector<16x256xf32>
    %slice3A_11 = vector.extract_strided_slice %dot_general3A_9 {offsets = [512, 0], sizes = [32, 256], strides = [1, 1]} : vector<544x256xf32> to vector<32x256xf32>
    %slice3A_12 = vector.extract_strided_slice %squeeze3A {offsets = [0, 0], sizes = [1, 256], strides = [1, 1]} : vector<16x256xf32> to vector<1x256xf32>
    %slice3A_13 = vector.extract_strided_slice %dot_general3A_9 {offsets = [0, 0], sizes = [32, 256], strides = [1, 1]} : vector<544x256xf32> to vector<32x256xf32>
    %mul3A = vector.broadcast %slice3A_12 : vector<1x256xf32> to vector<32x256xf32>
    %mul3A_14 = arith.mulf %mul3A, %slice3A_13 : vector<32x256xf32>
    %add3A = arith.addf %slice3A_11, %mul3A_14 : vector<32x256xf32>
    %slice3A_15 = vector.extract_strided_slice %squeeze3A {offsets = [1, 0], sizes = [1, 256], strides = [1, 1]} : vector<16x256xf32> to vector<1x256xf32>
    %slice3A_16 = vector.extract_strided_slice %dot_general3A_9 {offsets = [32, 0], sizes = [32, 256], strides = [1, 1]} : vector<544x256xf32> to vector<32x256xf32>
    %mul3A_17 = vector.broadcast %slice3A_15 : vector<1x256xf32> to vector<32x256xf32>
    %mul3A_18 = arith.mulf %mul3A_17, %slice3A_16 : vector<32x256xf32>
    %add3A_19 = arith.addf %add3A, %mul3A_18 : vector<32x256xf32>
    %slice3A_20 = vector.extract_strided_slice %squeeze3A {offsets = [2, 0], sizes = [1, 256], strides = [1, 1]} : vector<16x256xf32> to vector<1x256xf32>
    %slice3A_21 = vector.extract_strided_slice %dot_general3A_9 {offsets = [64, 0], sizes = [32, 256], strides = [1, 1]} : vector<544x256xf32> to vector<32x256xf32>
    %mul3A_22 = vector.broadcast %slice3A_20 : vector<1x256xf32> to vector<32x256xf32>
    %mul3A_23 = arith.mulf %mul3A_22, %slice3A_21 : vector<32x256xf32>
    %add3A_24 = arith.addf %add3A_19, %mul3A_23 : vector<32x256xf32>
    %slice3A_25 = vector.extract_strided_slice %squeeze3A {offsets = [3, 0], sizes = [1, 256], strides = [1, 1]} : vector<16x256xf32> to vector<1x256xf32>
    %slice3A_26 = vector.extract_strided_slice %dot_general3A_9 {offsets = [96, 0], sizes = [32, 256], strides = [1, 1]} : vector<544x256xf32> to vector<32x256xf32>
    %mul3A_27 = vector.broadcast %slice3A_25 : vector<1x256xf32> to vector<32x256xf32>
    %mul3A_28 = arith.mulf %mul3A_27, %slice3A_26 : vector<32x256xf32>
    %add3A_29 = arith.addf %add3A_24, %mul3A_28 : vector<32x256xf32>
    %slice3A_30 = vector.extract_strided_slice %squeeze3A {offsets = [4, 0], sizes = [1, 256], strides = [1, 1]} : vector<16x256xf32> to vector<1x256xf32>
    %slice3A_31 = vector.extract_strided_slice %dot_general3A_9 {offsets = [128, 0], sizes = [32, 256], strides = [1, 1]} : vector<544x256xf32> to vector<32x256xf32>
    %mul3A_32 = vector.broadcast %slice3A_30 : vector<1x256xf32> to vector<32x256xf32>
    %mul3A_33 = arith.mulf %mul3A_32, %slice3A_31 : vector<32x256xf32>
    %add3A_34 = arith.addf %add3A_29, %mul3A_33 : vector<32x256xf32>
    %slice3A_35 = vector.extract_strided_slice %squeeze3A {offsets = [5, 0], sizes = [1, 256], strides = [1, 1]} : vector<16x256xf32> to vector<1x256xf32>
    %slice3A_36 = vector.extract_strided_slice %dot_general3A_9 {offsets = [160, 0], sizes = [32, 256], strides = [1, 1]} : vector<544x256xf32> to vector<32x256xf32>
    %mul3A_37 = vector.broadcast %slice3A_35 : vector<1x256xf32> to vector<32x256xf32>
    %mul3A_38 = arith.mulf %mul3A_37, %slice3A_36 : vector<32x256xf32>
    %add3A_39 = arith.addf %add3A_34, %mul3A_38 : vector<32x256xf32>
    %slice3A_40 = vector.extract_strided_slice %squeeze3A {offsets = [6, 0], sizes = [1, 256], strides = [1, 1]} : vector<16x256xf32> to vector<1x256xf32>
    %slice3A_41 = vector.extract_strided_slice %dot_general3A_9 {offsets = [192, 0], sizes = [32, 256], strides = [1, 1]} : vector<544x256xf32> to vector<32x256xf32>
    %mul3A_42 = vector.broadcast %slice3A_40 : vector<1x256xf32> to vector<32x256xf32>
    %mul3A_43 = arith.mulf %mul3A_42, %slice3A_41 : vector<32x256xf32>
    %add3A_44 = arith.addf %add3A_39, %mul3A_43 : vector<32x256xf32>
    %slice3A_45 = vector.extract_strided_slice %squeeze3A {offsets = [7, 0], sizes = [1, 256], strides = [1, 1]} : vector<16x256xf32> to vector<1x256xf32>
    %slice3A_46 = vector.extract_strided_slice %dot_general3A_9 {offsets = [224, 0], sizes = [32, 256], strides = [1, 1]} : vector<544x256xf32> to vector<32x256xf32>
    %mul3A_47 = vector.broadcast %slice3A_45 : vector<1x256xf32> to vector<32x256xf32>
    %mul3A_48 = arith.mulf %mul3A_47, %slice3A_46 : vector<32x256xf32>
    %add3A_49 = arith.addf %add3A_44, %mul3A_48 : vector<32x256xf32>
    %slice3A_50 = vector.extract_strided_slice %squeeze3A {offsets = [8, 0], sizes = [1, 256], strides = [1, 1]} : vector<16x256xf32> to vector<1x256xf32>
    %slice3A_51 = vector.extract_strided_slice %dot_general3A_9 {offsets = [256, 0], sizes = [32, 256], strides = [1, 1]} : vector<544x256xf32> to vector<32x256xf32>
    %mul3A_52 = vector.broadcast %slice3A_50 : vector<1x256xf32> to vector<32x256xf32>
    %mul3A_53 = arith.mulf %mul3A_52, %slice3A_51 : vector<32x256xf32>
    %add3A_54 = arith.addf %add3A_49, %mul3A_53 : vector<32x256xf32>
    %slice3A_55 = vector.extract_strided_slice %squeeze3A {offsets = [9, 0], sizes = [1, 256], strides = [1, 1]} : vector<16x256xf32> to vector<1x256xf32>
    %slice3A_56 = vector.extract_strided_slice %dot_general3A_9 {offsets = [288, 0], sizes = [32, 256], strides = [1, 1]} : vector<544x256xf32> to vector<32x256xf32>
    %mul3A_57 = vector.broadcast %slice3A_55 : vector<1x256xf32> to vector<32x256xf32>
    %mul3A_58 = arith.mulf %mul3A_57, %slice3A_56 : vector<32x256xf32>
    %add3A_59 = arith.addf %add3A_54, %mul3A_58 : vector<32x256xf32>
    %slice3A_60 = vector.extract_strided_slice %squeeze3A {offsets = [10, 0], sizes = [1, 256], strides = [1, 1]} : vector<16x256xf32> to vector<1x256xf32>
    %slice3A_61 = vector.extract_strided_slice %dot_general3A_9 {offsets = [320, 0], sizes = [32, 256], strides = [1, 1]} : vector<544x256xf32> to vector<32x256xf32>
    %mul3A_62 = vector.broadcast %slice3A_60 : vector<1x256xf32> to vector<32x256xf32>
    %mul3A_63 = arith.mulf %mul3A_62, %slice3A_61 : vector<32x256xf32>
    %add3A_64 = arith.addf %add3A_59, %mul3A_63 : vector<32x256xf32>
    %slice3A_65 = vector.extract_strided_slice %squeeze3A {offsets = [11, 0], sizes = [1, 256], strides = [1, 1]} : vector<16x256xf32> to vector<1x256xf32>
    %slice3A_66 = vector.extract_strided_slice %dot_general3A_9 {offsets = [352, 0], sizes = [32, 256], strides = [1, 1]} : vector<544x256xf32> to vector<32x256xf32>
    %mul3A_67 = vector.broadcast %slice3A_65 : vector<1x256xf32> to vector<32x256xf32>
    %mul3A_68 = arith.mulf %mul3A_67, %slice3A_66 : vector<32x256xf32>
    %add3A_69 = arith.addf %add3A_64, %mul3A_68 : vector<32x256xf32>
    %slice3A_70 = vector.extract_strided_slice %squeeze3A {offsets = [12, 0], sizes = [1, 256], strides = [1, 1]} : vector<16x256xf32> to vector<1x256xf32>
    %slice3A_71 = vector.extract_strided_slice %dot_general3A_9 {offsets = [384, 0], sizes = [32, 256], strides = [1, 1]} : vector<544x256xf32> to vector<32x256xf32>
    %mul3A_72 = vector.broadcast %slice3A_70 : vector<1x256xf32> to vector<32x256xf32>
    %mul3A_73 = arith.mulf %mul3A_72, %slice3A_71 : vector<32x256xf32>
    %add3A_74 = arith.addf %add3A_69, %mul3A_73 : vector<32x256xf32>
    %slice3A_75 = vector.extract_strided_slice %squeeze3A {offsets = [13, 0], sizes = [1, 256], strides = [1, 1]} : vector<16x256xf32> to vector<1x256xf32>
    %slice3A_76 = vector.extract_strided_slice %dot_general3A_9 {offsets = [416, 0], sizes = [32, 256], strides = [1, 1]} : vector<544x256xf32> to vector<32x256xf32>
    %mul3A_77 = vector.broadcast %slice3A_75 : vector<1x256xf32> to vector<32x256xf32>
    %mul3A_78 = arith.mulf %mul3A_77, %slice3A_76 : vector<32x256xf32>
    %add3A_79 = arith.addf %add3A_74, %mul3A_78 : vector<32x256xf32>
    %slice3A_80 = vector.extract_strided_slice %squeeze3A {offsets = [14, 0], sizes = [1, 256], strides = [1, 1]} : vector<16x256xf32> to vector<1x256xf32>
    %slice3A_81 = vector.extract_strided_slice %dot_general3A_9 {offsets = [448, 0], sizes = [32, 256], strides = [1, 1]} : vector<544x256xf32> to vector<32x256xf32>
    %mul3A_82 = vector.broadcast %slice3A_80 : vector<1x256xf32> to vector<32x256xf32>
    %mul3A_83 = arith.mulf %mul3A_82, %slice3A_81 : vector<32x256xf32>
    %add3A_84 = arith.addf %add3A_79, %mul3A_83 : vector<32x256xf32>
    %slice3A_85 = vector.extract_strided_slice %squeeze3A {offsets = [15, 0], sizes = [1, 256], strides = [1, 1]} : vector<16x256xf32> to vector<1x256xf32>
    %slice3A_86 = vector.extract_strided_slice %dot_general3A_9 {offsets = [480, 0], sizes = [32, 256], strides = [1, 1]} : vector<544x256xf32> to vector<32x256xf32>
    %mul3A_87 = vector.broadcast %slice3A_85 : vector<1x256xf32> to vector<32x256xf32>
    %mul3A_88 = arith.mulf %mul3A_87, %slice3A_86 : vector<32x256xf32>
    %add3A_89 = arith.addf %add3A_84, %mul3A_88 : vector<32x256xf32>
    %transpose3A = tpu.transpose %add3A_89, [1, 0] : vector<32x256xf32> -> vector<256x32xf32>
    %slice3A_90 = vector.extract_strided_slice %get3A_1 {offsets = [0, 32], sizes = [256, 32], strides = [1, 1]} : vector<256x128xf32> to vector<256x32xf32>
    %get3A_91 = arith.constant 0 : index
    %get3A_92 = arith.constant 0 : index
    %get3A_93 = vector.load %arg3[%get3A_91, %get3A_92] : memref<544x32xf32, #tpu.memory_space<vmem>>, vector<544x32xf32>
    %dot_general3A_94 = arith.constant dense<0.000000e+00> : vector<544x256xf32>
    %dot_general3A_95 = tpu.matmul %get3A_93, %slice3A_90, %dot_general3A_94 {dimension_numbers = #tpu.dot_dimension_numbers<[1], [1], [0], [0], [0, 0, 1, 0], [], []>, transpose_lhs_hint = false} : vector<544x32xf32>, vector<256x32xf32>, vector<544x256xf32> -> vector<544x256xf32>
    %slice3A_96 = vector.extract_strided_slice %get3A_5 {offsets = [1, 0, 0], sizes = [1, 16, 256], strides = [1, 1, 1]} : vector<4x16x256xf32> to vector<1x16x256xf32>
    %squeeze3A_97 = vector.shape_cast %slice3A_96 : vector<1x16x256xf32> to vector<16x256xf32>
    %slice3A_98 = vector.extract_strided_slice %dot_general3A_95 {offsets = [512, 0], sizes = [32, 256], strides = [1, 1]} : vector<544x256xf32> to vector<32x256xf32>
    %slice3A_99 = vector.extract_strided_slice %squeeze3A_97 {offsets = [0, 0], sizes = [1, 256], strides = [1, 1]} : vector<16x256xf32> to vector<1x256xf32>
    %slice3A_100 = vector.extract_strided_slice %dot_general3A_95 {offsets = [0, 0], sizes = [32, 256], strides = [1, 1]} : vector<544x256xf32> to vector<32x256xf32>
    %mul3A_101 = vector.broadcast %slice3A_99 : vector<1x256xf32> to vector<32x256xf32>
    %mul3A_102 = arith.mulf %mul3A_101, %slice3A_100 : vector<32x256xf32>
    %add3A_103 = arith.addf %slice3A_98, %mul3A_102 : vector<32x256xf32>
    %slice3A_104 = vector.extract_strided_slice %squeeze3A_97 {offsets = [1, 0], sizes = [1, 256], strides = [1, 1]} : vector<16x256xf32> to vector<1x256xf32>
    %slice3A_105 = vector.extract_strided_slice %dot_general3A_95 {offsets = [32, 0], sizes = [32, 256], strides = [1, 1]} : vector<544x256xf32> to vector<32x256xf32>
    %mul3A_106 = vector.broadcast %slice3A_104 : vector<1x256xf32> to vector<32x256xf32>
    %mul3A_107 = arith.mulf %mul3A_106, %slice3A_105 : vector<32x256xf32>
    %add3A_108 = arith.addf %add3A_103, %mul3A_107 : vector<32x256xf32>
    %slice3A_109 = vector.extract_strided_slice %squeeze3A_97 {offsets = [2, 0], sizes = [1, 256], strides = [1, 1]} : vector<16x256xf32> to vector<1x256xf32>
    %slice3A_110 = vector.extract_strided_slice %dot_general3A_95 {offsets = [64, 0], sizes = [32, 256], strides = [1, 1]} : vector<544x256xf32> to vector<32x256xf32>
    %mul3A_111 = vector.broadcast %slice3A_109 : vector<1x256xf32> to vector<32x256xf32>
    %mul3A_112 = arith.mulf %mul3A_111, %slice3A_110 : vector<32x256xf32>
    %add3A_113 = arith.addf %add3A_108, %mul3A_112 : vector<32x256xf32>
    %slice3A_114 = vector.extract_strided_slice %squeeze3A_97 {offsets = [3, 0], sizes = [1, 256], strides = [1, 1]} : vector<16x256xf32> to vector<1x256xf32>
    %slice3A_115 = vector.extract_strided_slice %dot_general3A_95 {offsets = [96, 0], sizes = [32, 256], strides = [1, 1]} : vector<544x256xf32> to vector<32x256xf32>
    %mul3A_116 = vector.broadcast %slice3A_114 : vector<1x256xf32> to vector<32x256xf32>
    %mul3A_117 = arith.mulf %mul3A_116, %slice3A_115 : vector<32x256xf32>
    %add3A_118 = arith.addf %add3A_113, %mul3A_117 : vector<32x256xf32>
    %slice3A_119 = vector.extract_strided_slice %squeeze3A_97 {offsets = [4, 0], sizes = [1, 256], strides = [1, 1]} : vector<16x256xf32> to vector<1x256xf32>
    %slice3A_120 = vector.extract_strided_slice %dot_general3A_95 {offsets = [128, 0], sizes = [32, 256], strides = [1, 1]} : vector<544x256xf32> to vector<32x256xf32>
    %mul3A_121 = vector.broadcast %slice3A_119 : vector<1x256xf32> to vector<32x256xf32>
    %mul3A_122 = arith.mulf %mul3A_121, %slice3A_120 : vector<32x256xf32>
    %add3A_123 = arith.addf %add3A_118, %mul3A_122 : vector<32x256xf32>
    %slice3A_124 = vector.extract_strided_slice %squeeze3A_97 {offsets = [5, 0], sizes = [1, 256], strides = [1, 1]} : vector<16x256xf32> to vector<1x256xf32>
    %slice3A_125 = vector.extract_strided_slice %dot_general3A_95 {offsets = [160, 0], sizes = [32, 256], strides = [1, 1]} : vector<544x256xf32> to vector<32x256xf32>
    %mul3A_126 = vector.broadcast %slice3A_124 : vector<1x256xf32> to vector<32x256xf32>
    %mul3A_127 = arith.mulf %mul3A_126, %slice3A_125 : vector<32x256xf32>
    %add3A_128 = arith.addf %add3A_123, %mul3A_127 : vector<32x256xf32>
    %slice3A_129 = vector.extract_strided_slice %squeeze3A_97 {offsets = [6, 0], sizes = [1, 256], strides = [1, 1]} : vector<16x256xf32> to vector<1x256xf32>
    %slice3A_130 = vector.extract_strided_slice %dot_general3A_95 {offsets = [192, 0], sizes = [32, 256], strides = [1, 1]} : vector<544x256xf32> to vector<32x256xf32>
    %mul3A_131 = vector.broadcast %slice3A_129 : vector<1x256xf32> to vector<32x256xf32>
    %mul3A_132 = arith.mulf %mul3A_131, %slice3A_130 : vector<32x256xf32>
    %add3A_133 = arith.addf %add3A_128, %mul3A_132 : vector<32x256xf32>
    %slice3A_134 = vector.extract_strided_slice %squeeze3A_97 {offsets = [7, 0], sizes = [1, 256], strides = [1, 1]} : vector<16x256xf32> to vector<1x256xf32>
    %slice3A_135 = vector.extract_strided_slice %dot_general3A_95 {offsets = [224, 0], sizes = [32, 256], strides = [1, 1]} : vector<544x256xf32> to vector<32x256xf32>
    %mul3A_136 = vector.broadcast %slice3A_134 : vector<1x256xf32> to vector<32x256xf32>
    %mul3A_137 = arith.mulf %mul3A_136, %slice3A_135 : vector<32x256xf32>
    %add3A_138 = arith.addf %add3A_133, %mul3A_137 : vector<32x256xf32>
    %slice3A_139 = vector.extract_strided_slice %squeeze3A_97 {offsets = [8, 0], sizes = [1, 256], strides = [1, 1]} : vector<16x256xf32> to vector<1x256xf32>
    %slice3A_140 = vector.extract_strided_slice %dot_general3A_95 {offsets = [256, 0], sizes = [32, 256], strides = [1, 1]} : vector<544x256xf32> to vector<32x256xf32>
    %mul3A_141 = vector.broadcast %slice3A_139 : vector<1x256xf32> to vector<32x256xf32>
    %mul3A_142 = arith.mulf %mul3A_141, %slice3A_140 : vector<32x256xf32>
    %add3A_143 = arith.addf %add3A_138, %mul3A_142 : vector<32x256xf32>
    %slice3A_144 = vector.extract_strided_slice %squeeze3A_97 {offsets = [9, 0], sizes = [1, 256], strides = [1, 1]} : vector<16x256xf32> to vector<1x256xf32>
    %slice3A_145 = vector.extract_strided_slice %dot_general3A_95 {offsets = [288, 0], sizes = [32, 256], strides = [1, 1]} : vector<544x256xf32> to vector<32x256xf32>
    %mul3A_146 = vector.broadcast %slice3A_144 : vector<1x256xf32> to vector<32x256xf32>
    %mul3A_147 = arith.mulf %mul3A_146, %slice3A_145 : vector<32x256xf32>
    %add3A_148 = arith.addf %add3A_143, %mul3A_147 : vector<32x256xf32>
    %slice3A_149 = vector.extract_strided_slice %squeeze3A_97 {offsets = [10, 0], sizes = [1, 256], strides = [1, 1]} : vector<16x256xf32> to vector<1x256xf32>
    %slice3A_150 = vector.extract_strided_slice %dot_general3A_95 {offsets = [320, 0], sizes = [32, 256], strides = [1, 1]} : vector<544x256xf32> to vector<32x256xf32>
    %mul3A_151 = vector.broadcast %slice3A_149 : vector<1x256xf32> to vector<32x256xf32>
    %mul3A_152 = arith.mulf %mul3A_151, %slice3A_150 : vector<32x256xf32>
    %add3A_153 = arith.addf %add3A_148, %mul3A_152 : vector<32x256xf32>
    %slice3A_154 = vector.extract_strided_slice %squeeze3A_97 {offsets = [11, 0], sizes = [1, 256], strides = [1, 1]} : vector<16x256xf32> to vector<1x256xf32>
    %slice3A_155 = vector.extract_strided_slice %dot_general3A_95 {offsets = [352, 0], sizes = [32, 256], strides = [1, 1]} : vector<544x256xf32> to vector<32x256xf32>
    %mul3A_156 = vector.broadcast %slice3A_154 : vector<1x256xf32> to vector<32x256xf32>
    %mul3A_157 = arith.mulf %mul3A_156, %slice3A_155 : vector<32x256xf32>
    %add3A_158 = arith.addf %add3A_153, %mul3A_157 : vector<32x256xf32>
    %slice3A_159 = vector.extract_strided_slice %squeeze3A_97 {offsets = [12, 0], sizes = [1, 256], strides = [1, 1]} : vector<16x256xf32> to vector<1x256xf32>
    %slice3A_160 = vector.extract_strided_slice %dot_general3A_95 {offsets = [384, 0], sizes = [32, 256], strides = [1, 1]} : vector<544x256xf32> to vector<32x256xf32>
    %mul3A_161 = vector.broadcast %slice3A_159 : vector<1x256xf32> to vector<32x256xf32>
    %mul3A_162 = arith.mulf %mul3A_161, %slice3A_160 : vector<32x256xf32>
    %add3A_163 = arith.addf %add3A_158, %mul3A_162 : vector<32x256xf32>
    %slice3A_164 = vector.extract_strided_slice %squeeze3A_97 {offsets = [13, 0], sizes = [1, 256], strides = [1, 1]} : vector<16x256xf32> to vector<1x256xf32>
    %slice3A_165 = vector.extract_strided_slice %dot_general3A_95 {offsets = [416, 0], sizes = [32, 256], strides = [1, 1]} : vector<544x256xf32> to vector<32x256xf32>
    %mul3A_166 = vector.broadcast %slice3A_164 : vector<1x256xf32> to vector<32x256xf32>
    %mul3A_167 = arith.mulf %mul3A_166, %slice3A_165 : vector<32x256xf32>
    %add3A_168 = arith.addf %add3A_163, %mul3A_167 : vector<32x256xf32>
    %slice3A_169 = vector.extract_strided_slice %squeeze3A_97 {offsets = [14, 0], sizes = [1, 256], strides = [1, 1]} : vector<16x256xf32> to vector<1x256xf32>
    %slice3A_170 = vector.extract_strided_slice %dot_general3A_95 {offsets = [448, 0], sizes = [32, 256], strides = [1, 1]} : vector<544x256xf32> to vector<32x256xf32>
    %mul3A_171 = vector.broadcast %slice3A_169 : vector<1x256xf32> to vector<32x256xf32>
    %mul3A_172 = arith.mulf %mul3A_171, %slice3A_170 : vector<32x256xf32>
    %add3A_173 = arith.addf %add3A_168, %mul3A_172 : vector<32x256xf32>
    %slice3A_174 = vector.extract_strided_slice %squeeze3A_97 {offsets = [15, 0], sizes = [1, 256], strides = [1, 1]} : vector<16x256xf32> to vector<1x256xf32>
    %slice3A_175 = vector.extract_strided_slice %dot_general3A_95 {offsets = [480, 0], sizes = [32, 256], strides = [1, 1]} : vector<544x256xf32> to vector<32x256xf32>
    %mul3A_176 = vector.broadcast %slice3A_174 : vector<1x256xf32> to vector<32x256xf32>
    %mul3A_177 = arith.mulf %mul3A_176, %slice3A_175 : vector<32x256xf32>
    %add3A_178 = arith.addf %add3A_173, %mul3A_177 : vector<32x256xf32>
    %transpose3A_179 = tpu.transpose %add3A_178, [1, 0] : vector<32x256xf32> -> vector<256x32xf32>
    %slice3A_180 = vector.extract_strided_slice %get3A_1 {offsets = [0, 64], sizes = [256, 32], strides = [1, 1]} : vector<256x128xf32> to vector<256x32xf32>
    %get3A_181 = arith.constant 0 : index
    %get3A_182 = arith.constant 0 : index
    %get3A_183 = vector.load %arg3[%get3A_181, %get3A_182] : memref<544x32xf32, #tpu.memory_space<vmem>>, vector<544x32xf32>
    %dot_general3A_184 = arith.constant dense<0.000000e+00> : vector<544x256xf32>
    %dot_general3A_185 = tpu.matmul %get3A_183, %slice3A_180, %dot_general3A_184 {dimension_numbers = #tpu.dot_dimension_numbers<[1], [1], [0], [0], [0, 0, 1, 0], [], []>, transpose_lhs_hint = false} : vector<544x32xf32>, vector<256x32xf32>, vector<544x256xf32> -> vector<544x256xf32>
    %slice3A_186 = vector.extract_strided_slice %get3A_5 {offsets = [2, 0, 0], sizes = [1, 16, 256], strides = [1, 1, 1]} : vector<4x16x256xf32> to vector<1x16x256xf32>
    %squeeze3A_187 = vector.shape_cast %slice3A_186 : vector<1x16x256xf32> to vector<16x256xf32>
    %slice3A_188 = vector.extract_strided_slice %dot_general3A_185 {offsets = [512, 0], sizes = [32, 256], strides = [1, 1]} : vector<544x256xf32> to vector<32x256xf32>
    %slice3A_189 = vector.extract_strided_slice %squeeze3A_187 {offsets = [0, 0], sizes = [1, 256], strides = [1, 1]} : vector<16x256xf32> to vector<1x256xf32>
    %slice3A_190 = vector.extract_strided_slice %dot_general3A_185 {offsets = [0, 0], sizes = [32, 256], strides = [1, 1]} : vector<544x256xf32> to vector<32x256xf32>
    %mul3A_191 = vector.broadcast %slice3A_189 : vector<1x256xf32> to vector<32x256xf32>
    %mul3A_192 = arith.mulf %mul3A_191, %slice3A_190 : vector<32x256xf32>
    %add3A_193 = arith.addf %slice3A_188, %mul3A_192 : vector<32x256xf32>
    %slice3A_194 = vector.extract_strided_slice %squeeze3A_187 {offsets = [1, 0], sizes = [1, 256], strides = [1, 1]} : vector<16x256xf32> to vector<1x256xf32>
    %slice3A_195 = vector.extract_strided_slice %dot_general3A_185 {offsets = [32, 0], sizes = [32, 256], strides = [1, 1]} : vector<544x256xf32> to vector<32x256xf32>
    %mul3A_196 = vector.broadcast %slice3A_194 : vector<1x256xf32> to vector<32x256xf32>
    %mul3A_197 = arith.mulf %mul3A_196, %slice3A_195 : vector<32x256xf32>
    %add3A_198 = arith.addf %add3A_193, %mul3A_197 : vector<32x256xf32>
    %slice3A_199 = vector.extract_strided_slice %squeeze3A_187 {offsets = [2, 0], sizes = [1, 256], strides = [1, 1]} : vector<16x256xf32> to vector<1x256xf32>
    %slice3A_200 = vector.extract_strided_slice %dot_general3A_185 {offsets = [64, 0], sizes = [32, 256], strides = [1, 1]} : vector<544x256xf32> to vector<32x256xf32>
    %mul3A_201 = vector.broadcast %slice3A_199 : vector<1x256xf32> to vector<32x256xf32>
    %mul3A_202 = arith.mulf %mul3A_201, %slice3A_200 : vector<32x256xf32>
    %add3A_203 = arith.addf %add3A_198, %mul3A_202 : vector<32x256xf32>
    %slice3A_204 = vector.extract_strided_slice %squeeze3A_187 {offsets = [3, 0], sizes = [1, 256], strides = [1, 1]} : vector<16x256xf32> to vector<1x256xf32>
    %slice3A_205 = vector.extract_strided_slice %dot_general3A_185 {offsets = [96, 0], sizes = [32, 256], strides = [1, 1]} : vector<544x256xf32> to vector<32x256xf32>
    %mul3A_206 = vector.broadcast %slice3A_204 : vector<1x256xf32> to vector<32x256xf32>
    %mul3A_207 = arith.mulf %mul3A_206, %slice3A_205 : vector<32x256xf32>
    %add3A_208 = arith.addf %add3A_203, %mul3A_207 : vector<32x256xf32>
    %slice3A_209 = vector.extract_strided_slice %squeeze3A_187 {offsets = [4, 0], sizes = [1, 256], strides = [1, 1]} : vector<16x256xf32> to vector<1x256xf32>
    %slice3A_210 = vector.extract_strided_slice %dot_general3A_185 {offsets = [128, 0], sizes = [32, 256], strides = [1, 1]} : vector<544x256xf32> to vector<32x256xf32>
    %mul3A_211 = vector.broadcast %slice3A_209 : vector<1x256xf32> to vector<32x256xf32>
    %mul3A_212 = arith.mulf %mul3A_211, %slice3A_210 : vector<32x256xf32>
    %add3A_213 = arith.addf %add3A_208, %mul3A_212 : vector<32x256xf32>
    %slice3A_214 = vector.extract_strided_slice %squeeze3A_187 {offsets = [5, 0], sizes = [1, 256], strides = [1, 1]} : vector<16x256xf32> to vector<1x256xf32>
    %slice3A_215 = vector.extract_strided_slice %dot_general3A_185 {offsets = [160, 0], sizes = [32, 256], strides = [1, 1]} : vector<544x256xf32> to vector<32x256xf32>
    %mul3A_216 = vector.broadcast %slice3A_214 : vector<1x256xf32> to vector<32x256xf32>
    %mul3A_217 = arith.mulf %mul3A_216, %slice3A_215 : vector<32x256xf32>
    %add3A_218 = arith.addf %add3A_213, %mul3A_217 : vector<32x256xf32>
    %slice3A_219 = vector.extract_strided_slice %squeeze3A_187 {offsets = [6, 0], sizes = [1, 256], strides = [1, 1]} : vector<16x256xf32> to vector<1x256xf32>
    %slice3A_220 = vector.extract_strided_slice %dot_general3A_185 {offsets = [192, 0], sizes = [32, 256], strides = [1, 1]} : vector<544x256xf32> to vector<32x256xf32>
    %mul3A_221 = vector.broadcast %slice3A_219 : vector<1x256xf32> to vector<32x256xf32>
    %mul3A_222 = arith.mulf %mul3A_221, %slice3A_220 : vector<32x256xf32>
    %add3A_223 = arith.addf %add3A_218, %mul3A_222 : vector<32x256xf32>
    %slice3A_224 = vector.extract_strided_slice %squeeze3A_187 {offsets = [7, 0], sizes = [1, 256], strides = [1, 1]} : vector<16x256xf32> to vector<1x256xf32>
    %slice3A_225 = vector.extract_strided_slice %dot_general3A_185 {offsets = [224, 0], sizes = [32, 256], strides = [1, 1]} : vector<544x256xf32> to vector<32x256xf32>
    %mul3A_226 = vector.broadcast %slice3A_224 : vector<1x256xf32> to vector<32x256xf32>
    %mul3A_227 = arith.mulf %mul3A_226, %slice3A_225 : vector<32x256xf32>
    %add3A_228 = arith.addf %add3A_223, %mul3A_227 : vector<32x256xf32>
    %slice3A_229 = vector.extract_strided_slice %squeeze3A_187 {offsets = [8, 0], sizes = [1, 256], strides = [1, 1]} : vector<16x256xf32> to vector<1x256xf32>
    %slice3A_230 = vector.extract_strided_slice %dot_general3A_185 {offsets = [256, 0], sizes = [32, 256], strides = [1, 1]} : vector<544x256xf32> to vector<32x256xf32>
    %mul3A_231 = vector.broadcast %slice3A_229 : vector<1x256xf32> to vector<32x256xf32>
    %mul3A_232 = arith.mulf %mul3A_231, %slice3A_230 : vector<32x256xf32>
    %add3A_233 = arith.addf %add3A_228, %mul3A_232 : vector<32x256xf32>
    %slice3A_234 = vector.extract_strided_slice %squeeze3A_187 {offsets = [9, 0], sizes = [1, 256], strides = [1, 1]} : vector<16x256xf32> to vector<1x256xf32>
    %slice3A_235 = vector.extract_strided_slice %dot_general3A_185 {offsets = [288, 0], sizes = [32, 256], strides = [1, 1]} : vector<544x256xf32> to vector<32x256xf32>
    %mul3A_236 = vector.broadcast %slice3A_234 : vector<1x256xf32> to vector<32x256xf32>
    %mul3A_237 = arith.mulf %mul3A_236, %slice3A_235 : vector<32x256xf32>
    %add3A_238 = arith.addf %add3A_233, %mul3A_237 : vector<32x256xf32>
    %slice3A_239 = vector.extract_strided_slice %squeeze3A_187 {offsets = [10, 0], sizes = [1, 256], strides = [1, 1]} : vector<16x256xf32> to vector<1x256xf32>
    %slice3A_240 = vector.extract_strided_slice %dot_general3A_185 {offsets = [320, 0], sizes = [32, 256], strides = [1, 1]} : vector<544x256xf32> to vector<32x256xf32>
    %mul3A_241 = vector.broadcast %slice3A_239 : vector<1x256xf32> to vector<32x256xf32>
    %mul3A_242 = arith.mulf %mul3A_241, %slice3A_240 : vector<32x256xf32>
    %add3A_243 = arith.addf %add3A_238, %mul3A_242 : vector<32x256xf32>
    %slice3A_244 = vector.extract_strided_slice %squeeze3A_187 {offsets = [11, 0], sizes = [1, 256], strides = [1, 1]} : vector<16x256xf32> to vector<1x256xf32>
    %slice3A_245 = vector.extract_strided_slice %dot_general3A_185 {offsets = [352, 0], sizes = [32, 256], strides = [1, 1]} : vector<544x256xf32> to vector<32x256xf32>
    %mul3A_246 = vector.broadcast %slice3A_244 : vector<1x256xf32> to vector<32x256xf32>
    %mul3A_247 = arith.mulf %mul3A_246, %slice3A_245 : vector<32x256xf32>
    %add3A_248 = arith.addf %add3A_243, %mul3A_247 : vector<32x256xf32>
    %slice3A_249 = vector.extract_strided_slice %squeeze3A_187 {offsets = [12, 0], sizes = [1, 256], strides = [1, 1]} : vector<16x256xf32> to vector<1x256xf32>
    %slice3A_250 = vector.extract_strided_slice %dot_general3A_185 {offsets = [384, 0], sizes = [32, 256], strides = [1, 1]} : vector<544x256xf32> to vector<32x256xf32>
    %mul3A_251 = vector.broadcast %slice3A_249 : vector<1x256xf32> to vector<32x256xf32>
    %mul3A_252 = arith.mulf %mul3A_251, %slice3A_250 : vector<32x256xf32>
    %add3A_253 = arith.addf %add3A_248, %mul3A_252 : vector<32x256xf32>
    %slice3A_254 = vector.extract_strided_slice %squeeze3A_187 {offsets = [13, 0], sizes = [1, 256], strides = [1, 1]} : vector<16x256xf32> to vector<1x256xf32>
    %slice3A_255 = vector.extract_strided_slice %dot_general3A_185 {offsets = [416, 0], sizes = [32, 256], strides = [1, 1]} : vector<544x256xf32> to vector<32x256xf32>
    %mul3A_256 = vector.broadcast %slice3A_254 : vector<1x256xf32> to vector<32x256xf32>
    %mul3A_257 = arith.mulf %mul3A_256, %slice3A_255 : vector<32x256xf32>
    %add3A_258 = arith.addf %add3A_253, %mul3A_257 : vector<32x256xf32>
    %slice3A_259 = vector.extract_strided_slice %squeeze3A_187 {offsets = [14, 0], sizes = [1, 256], strides = [1, 1]} : vector<16x256xf32> to vector<1x256xf32>
    %slice3A_260 = vector.extract_strided_slice %dot_general3A_185 {offsets = [448, 0], sizes = [32, 256], strides = [1, 1]} : vector<544x256xf32> to vector<32x256xf32>
    %mul3A_261 = vector.broadcast %slice3A_259 : vector<1x256xf32> to vector<32x256xf32>
    %mul3A_262 = arith.mulf %mul3A_261, %slice3A_260 : vector<32x256xf32>
    %add3A_263 = arith.addf %add3A_258, %mul3A_262 : vector<32x256xf32>
    %slice3A_264 = vector.extract_strided_slice %squeeze3A_187 {offsets = [15, 0], sizes = [1, 256], strides = [1, 1]} : vector<16x256xf32> to vector<1x256xf32>
    %slice3A_265 = vector.extract_strided_slice %dot_general3A_185 {offsets = [480, 0], sizes = [32, 256], strides = [1, 1]} : vector<544x256xf32> to vector<32x256xf32>
    %mul3A_266 = vector.broadcast %slice3A_264 : vector<1x256xf32> to vector<32x256xf32>
    %mul3A_267 = arith.mulf %mul3A_266, %slice3A_265 : vector<32x256xf32>
    %add3A_268 = arith.addf %add3A_263, %mul3A_267 : vector<32x256xf32>
    %transpose3A_269 = tpu.transpose %add3A_268, [1, 0] : vector<32x256xf32> -> vector<256x32xf32>
    %slice3A_270 = vector.extract_strided_slice %get3A_1 {offsets = [0, 96], sizes = [256, 32], strides = [1, 1]} : vector<256x128xf32> to vector<256x32xf32>
    %get3A_271 = arith.constant 0 : index
    %get3A_272 = arith.constant 0 : index
    %get3A_273 = vector.load %arg3[%get3A_271, %get3A_272] : memref<544x32xf32, #tpu.memory_space<vmem>>, vector<544x32xf32>
    %dot_general3A_274 = arith.constant dense<0.000000e+00> : vector<544x256xf32>
    %dot_general3A_275 = tpu.matmul %get3A_273, %slice3A_270, %dot_general3A_274 {dimension_numbers = #tpu.dot_dimension_numbers<[1], [1], [0], [0], [0, 0, 1, 0], [], []>, transpose_lhs_hint = false} : vector<544x32xf32>, vector<256x32xf32>, vector<544x256xf32> -> vector<544x256xf32>
    %slice3A_276 = vector.extract_strided_slice %get3A_5 {offsets = [3, 0, 0], sizes = [1, 16, 256], strides = [1, 1, 1]} : vector<4x16x256xf32> to vector<1x16x256xf32>
    %squeeze3A_277 = vector.shape_cast %slice3A_276 : vector<1x16x256xf32> to vector<16x256xf32>
    %slice3A_278 = vector.extract_strided_slice %dot_general3A_275 {offsets = [512, 0], sizes = [32, 256], strides = [1, 1]} : vector<544x256xf32> to vector<32x256xf32>
    %slice3A_279 = vector.extract_strided_slice %squeeze3A_277 {offsets = [0, 0], sizes = [1, 256], strides = [1, 1]} : vector<16x256xf32> to vector<1x256xf32>
    %slice3A_280 = vector.extract_strided_slice %dot_general3A_275 {offsets = [0, 0], sizes = [32, 256], strides = [1, 1]} : vector<544x256xf32> to vector<32x256xf32>
    %mul3A_281 = vector.broadcast %slice3A_279 : vector<1x256xf32> to vector<32x256xf32>
    %mul3A_282 = arith.mulf %mul3A_281, %slice3A_280 : vector<32x256xf32>
    %add3A_283 = arith.addf %slice3A_278, %mul3A_282 : vector<32x256xf32>
    %slice3A_284 = vector.extract_strided_slice %squeeze3A_277 {offsets = [1, 0], sizes = [1, 256], strides = [1, 1]} : vector<16x256xf32> to vector<1x256xf32>
    %slice3A_285 = vector.extract_strided_slice %dot_general3A_275 {offsets = [32, 0], sizes = [32, 256], strides = [1, 1]} : vector<544x256xf32> to vector<32x256xf32>
    %mul3A_286 = vector.broadcast %slice3A_284 : vector<1x256xf32> to vector<32x256xf32>
    %mul3A_287 = arith.mulf %mul3A_286, %slice3A_285 : vector<32x256xf32>
    %add3A_288 = arith.addf %add3A_283, %mul3A_287 : vector<32x256xf32>
    %slice3A_289 = vector.extract_strided_slice %squeeze3A_277 {offsets = [2, 0], sizes = [1, 256], strides = [1, 1]} : vector<16x256xf32> to vector<1x256xf32>
    %slice3A_290 = vector.extract_strided_slice %dot_general3A_275 {offsets = [64, 0], sizes = [32, 256], strides = [1, 1]} : vector<544x256xf32> to vector<32x256xf32>
    %mul3A_291 = vector.broadcast %slice3A_289 : vector<1x256xf32> to vector<32x256xf32>
    %mul3A_292 = arith.mulf %mul3A_291, %slice3A_290 : vector<32x256xf32>
    %add3A_293 = arith.addf %add3A_288, %mul3A_292 : vector<32x256xf32>
    %slice3A_294 = vector.extract_strided_slice %squeeze3A_277 {offsets = [3, 0], sizes = [1, 256], strides = [1, 1]} : vector<16x256xf32> to vector<1x256xf32>
    %slice3A_295 = vector.extract_strided_slice %dot_general3A_275 {offsets = [96, 0], sizes = [32, 256], strides = [1, 1]} : vector<544x256xf32> to vector<32x256xf32>
    %mul3A_296 = vector.broadcast %slice3A_294 : vector<1x256xf32> to vector<32x256xf32>
    %mul3A_297 = arith.mulf %mul3A_296, %slice3A_295 : vector<32x256xf32>
    %add3A_298 = arith.addf %add3A_293, %mul3A_297 : vector<32x256xf32>
    %slice3A_299 = vector.extract_strided_slice %squeeze3A_277 {offsets = [4, 0], sizes = [1, 256], strides = [1, 1]} : vector<16x256xf32> to vector<1x256xf32>
    %slice3A_300 = vector.extract_strided_slice %dot_general3A_275 {offsets = [128, 0], sizes = [32, 256], strides = [1, 1]} : vector<544x256xf32> to vector<32x256xf32>
    %mul3A_301 = vector.broadcast %slice3A_299 : vector<1x256xf32> to vector<32x256xf32>
    %mul3A_302 = arith.mulf %mul3A_301, %slice3A_300 : vector<32x256xf32>
    %add3A_303 = arith.addf %add3A_298, %mul3A_302 : vector<32x256xf32>
    %slice3A_304 = vector.extract_strided_slice %squeeze3A_277 {offsets = [5, 0], sizes = [1, 256], strides = [1, 1]} : vector<16x256xf32> to vector<1x256xf32>
    %slice3A_305 = vector.extract_strided_slice %dot_general3A_275 {offsets = [160, 0], sizes = [32, 256], strides = [1, 1]} : vector<544x256xf32> to vector<32x256xf32>
    %mul3A_306 = vector.broadcast %slice3A_304 : vector<1x256xf32> to vector<32x256xf32>
    %mul3A_307 = arith.mulf %mul3A_306, %slice3A_305 : vector<32x256xf32>
    %add3A_308 = arith.addf %add3A_303, %mul3A_307 : vector<32x256xf32>
    %slice3A_309 = vector.extract_strided_slice %squeeze3A_277 {offsets = [6, 0], sizes = [1, 256], strides = [1, 1]} : vector<16x256xf32> to vector<1x256xf32>
    %slice3A_310 = vector.extract_strided_slice %dot_general3A_275 {offsets = [192, 0], sizes = [32, 256], strides = [1, 1]} : vector<544x256xf32> to vector<32x256xf32>
    %mul3A_311 = vector.broadcast %slice3A_309 : vector<1x256xf32> to vector<32x256xf32>
    %mul3A_312 = arith.mulf %mul3A_311, %slice3A_310 : vector<32x256xf32>
    %add3A_313 = arith.addf %add3A_308, %mul3A_312 : vector<32x256xf32>
    %slice3A_314 = vector.extract_strided_slice %squeeze3A_277 {offsets = [7, 0], sizes = [1, 256], strides = [1, 1]} : vector<16x256xf32> to vector<1x256xf32>
    %slice3A_315 = vector.extract_strided_slice %dot_general3A_275 {offsets = [224, 0], sizes = [32, 256], strides = [1, 1]} : vector<544x256xf32> to vector<32x256xf32>
    %mul3A_316 = vector.broadcast %slice3A_314 : vector<1x256xf32> to vector<32x256xf32>
    %mul3A_317 = arith.mulf %mul3A_316, %slice3A_315 : vector<32x256xf32>
    %add3A_318 = arith.addf %add3A_313, %mul3A_317 : vector<32x256xf32>
    %slice3A_319 = vector.extract_strided_slice %squeeze3A_277 {offsets = [8, 0], sizes = [1, 256], strides = [1, 1]} : vector<16x256xf32> to vector<1x256xf32>
    %slice3A_320 = vector.extract_strided_slice %dot_general3A_275 {offsets = [256, 0], sizes = [32, 256], strides = [1, 1]} : vector<544x256xf32> to vector<32x256xf32>
    %mul3A_321 = vector.broadcast %slice3A_319 : vector<1x256xf32> to vector<32x256xf32>
    %mul3A_322 = arith.mulf %mul3A_321, %slice3A_320 : vector<32x256xf32>
    %add3A_323 = arith.addf %add3A_318, %mul3A_322 : vector<32x256xf32>
    %slice3A_324 = vector.extract_strided_slice %squeeze3A_277 {offsets = [9, 0], sizes = [1, 256], strides = [1, 1]} : vector<16x256xf32> to vector<1x256xf32>
    %slice3A_325 = vector.extract_strided_slice %dot_general3A_275 {offsets = [288, 0], sizes = [32, 256], strides = [1, 1]} : vector<544x256xf32> to vector<32x256xf32>
    %mul3A_326 = vector.broadcast %slice3A_324 : vector<1x256xf32> to vector<32x256xf32>
    %mul3A_327 = arith.mulf %mul3A_326, %slice3A_325 : vector<32x256xf32>
    %add3A_328 = arith.addf %add3A_323, %mul3A_327 : vector<32x256xf32>
    %slice3A_329 = vector.extract_strided_slice %squeeze3A_277 {offsets = [10, 0], sizes = [1, 256], strides = [1, 1]} : vector<16x256xf32> to vector<1x256xf32>
    %slice3A_330 = vector.extract_strided_slice %dot_general3A_275 {offsets = [320, 0], sizes = [32, 256], strides = [1, 1]} : vector<544x256xf32> to vector<32x256xf32>
    %mul3A_331 = vector.broadcast %slice3A_329 : vector<1x256xf32> to vector<32x256xf32>
    %mul3A_332 = arith.mulf %mul3A_331, %slice3A_330 : vector<32x256xf32>
    %add3A_333 = arith.addf %add3A_328, %mul3A_332 : vector<32x256xf32>
    %slice3A_334 = vector.extract_strided_slice %squeeze3A_277 {offsets = [11, 0], sizes = [1, 256], strides = [1, 1]} : vector<16x256xf32> to vector<1x256xf32>
    %slice3A_335 = vector.extract_strided_slice %dot_general3A_275 {offsets = [352, 0], sizes = [32, 256], strides = [1, 1]} : vector<544x256xf32> to vector<32x256xf32>
    %mul3A_336 = vector.broadcast %slice3A_334 : vector<1x256xf32> to vector<32x256xf32>
    %mul3A_337 = arith.mulf %mul3A_336, %slice3A_335 : vector<32x256xf32>
    %add3A_338 = arith.addf %add3A_333, %mul3A_337 : vector<32x256xf32>
    %slice3A_339 = vector.extract_strided_slice %squeeze3A_277 {offsets = [12, 0], sizes = [1, 256], strides = [1, 1]} : vector<16x256xf32> to vector<1x256xf32>
    %slice3A_340 = vector.extract_strided_slice %dot_general3A_275 {offsets = [384, 0], sizes = [32, 256], strides = [1, 1]} : vector<544x256xf32> to vector<32x256xf32>
    %mul3A_341 = vector.broadcast %slice3A_339 : vector<1x256xf32> to vector<32x256xf32>
    %mul3A_342 = arith.mulf %mul3A_341, %slice3A_340 : vector<32x256xf32>
    %add3A_343 = arith.addf %add3A_338, %mul3A_342 : vector<32x256xf32>
    %slice3A_344 = vector.extract_strided_slice %squeeze3A_277 {offsets = [13, 0], sizes = [1, 256], strides = [1, 1]} : vector<16x256xf32> to vector<1x256xf32>
    %slice3A_345 = vector.extract_strided_slice %dot_general3A_275 {offsets = [416, 0], sizes = [32, 256], strides = [1, 1]} : vector<544x256xf32> to vector<32x256xf32>
    %mul3A_346 = vector.broadcast %slice3A_344 : vector<1x256xf32> to vector<32x256xf32>
    %mul3A_347 = arith.mulf %mul3A_346, %slice3A_345 : vector<32x256xf32>
    %add3A_348 = arith.addf %add3A_343, %mul3A_347 : vector<32x256xf32>
    %slice3A_349 = vector.extract_strided_slice %squeeze3A_277 {offsets = [14, 0], sizes = [1, 256], strides = [1, 1]} : vector<16x256xf32> to vector<1x256xf32>
    %slice3A_350 = vector.extract_strided_slice %dot_general3A_275 {offsets = [448, 0], sizes = [32, 256], strides = [1, 1]} : vector<544x256xf32> to vector<32x256xf32>
    %mul3A_351 = vector.broadcast %slice3A_349 : vector<1x256xf32> to vector<32x256xf32>
    %mul3A_352 = arith.mulf %mul3A_351, %slice3A_350 : vector<32x256xf32>
    %add3A_353 = arith.addf %add3A_348, %mul3A_352 : vector<32x256xf32>
    %slice3A_354 = vector.extract_strided_slice %squeeze3A_277 {offsets = [15, 0], sizes = [1, 256], strides = [1, 1]} : vector<16x256xf32> to vector<1x256xf32>
    %slice3A_355 = vector.extract_strided_slice %dot_general3A_275 {offsets = [480, 0], sizes = [32, 256], strides = [1, 1]} : vector<544x256xf32> to vector<32x256xf32>
    %mul3A_356 = vector.broadcast %slice3A_354 : vector<1x256xf32> to vector<32x256xf32>
    %mul3A_357 = arith.mulf %mul3A_356, %slice3A_355 : vector<32x256xf32>
    %add3A_358 = arith.addf %add3A_353, %mul3A_357 : vector<32x256xf32>
    %transpose3A_359 = tpu.transpose %add3A_358, [1, 0] : vector<32x256xf32> -> vector<256x32xf32>
    %concatenate3A = tpu.concatenate %transpose3A, %transpose3A_179, %transpose3A_269, %transpose3A_359 in 1 : vector<256x32xf32>, vector<256x32xf32>, vector<256x32xf32>, vector<256x32xf32> -> vector<256x128xf32>
    %swap3A = arith.constant 0 : index
    %swap3A_360 = arith.constant 0 : index
    %swap3A_361 = vector.load %arg4[%swap3A, %swap3A_360] : memref<256x128xf32, #tpu.memory_space<vmem>>, vector<256x128xf32>
    tpu.vector_store %arg4[%swap3A, %swap3A_360], %concatenate3A {strides = array<i32>} : memref<256x128xf32, #tpu.memory_space<vmem>>, vector<256x128xf32>,
    return
  }
  func.func @transform_0(%arg0: i32) -> (i32, i32, i32) {
    %c0_i32 = arith.constant 0 : i32
    %c0_i32_0 = arith.constant 0 : i32
    %c0_i32_1 = arith.constant 0 : i32
    return %c0_i32, %c0_i32_0, %arg0 : i32, i32, i32
  }
  func.func @transform_1(%arg0: i32) -> (i32, i32) {
    %c0_i32 = arith.constant 0 : i32
    %c0_i32_0 = arith.constant 0 : i32
    return %arg0, %c0_i32 : i32, i32
  }
  func.func @transform_2(%arg0: i32) -> (i32, i32) {
    %c0_i32 = arith.constant 0 : i32
    %c0_i32_0 = arith.constant 0 : i32
    %c0_i32_1 = arith.constant 0 : i32
    return %c0_i32, %c0_i32_0 : i32, i32
  }
  func.func @transform_3(%arg0: i32) -> (i32, i32) {
    %c0_i32 = arith.constant 0 : i32
    %c0_i32_0 = arith.constant 0 : i32
    return %arg0, %c0_i32 : i32, i32
  }
}

</mosaic_0001>

<sc_bundles>
// kernel: kernel.6.cloned.1.call-start
scs
__scs_entry_jumppad:
0x0: {  	(pc) =	sbr.rel $0x88, $3  }
0x1: {  	(tag) =	ssettag $0x0;
	lr =	simm.s32 $0x1  }
0x2: {  	[smem:$0x3F9C] =	sst lr;
	_ =	strace $0xD0000000  }
0x3: {  	_ = 	snop  }
0x4: {  	_ = 	snop  }
0x5: {  	_ = 	snop  }
0x6: {  	_ = 	snop  }
0x7: {  	_ = 	snop  }
__scs_overlays_trampoline_lowered:
0x8: {  	[smem:$0x3FAB] =	sst s0  }
0x9: {  	[smem:$0x3FAC] =	sst s1  }
0xa: {  	[smem:$0x3FAD] =	sst s2  }
0xb: {  	[smem:$0x3FAE] =	sst s3  }
0xc: {  	[smem:$0x3FAF] =	sst s4  }
0xd: {  	[smem:$0x3FB0] =	sst s5  }
0xe: {  	[smem:$0x3FB1] =	sst s6  }
0xf: {  	[smem:$0x3FB2] =	sst s7  }
0x10: {  	[smem:$0x3FB3] =	sst s8  }
0x11: {  	[smem:$0x3FB4] =	sst s9;
	s0 =	simm.s32 @!p0 $0x0  }
0x12: {  	s1 =	sld [smem:$0x3F9A];
	s0 =	simm.s32 @p0 $0x1  }
0x13: {  	[smem:$0x3FB5] =	sst s0;
	s0 =	simm.s32 @!p1 $0x0  }
0x14: {  	s2 =	sld [smem:$0x3F99];
	s0 =	simm.s32 @p1 $0x1  }
0x15: {  	[smem:$0x3FB6] =	sst s0;
	s0 =	simm.s32 @!p2 $0x0  }
0x16: {  	s3 =	sld [smem:$0x3FDB];
	s0 =	simm.s32 @p2 $0x1  }
0x17: {  	s4 =	simm.s32 $0x1BF5;
	[smem:$0x3FB8] =	sst s0  }
0x18: {  	s0 =	sld [smem:$0x3F9B];
	_ =	swait.ge [sflag:s4], $0x0  }
0x19: {  	s7 =	sld [smem:$0x3F9C]  }
0x1a: {  	s8 =	sadd.s32 $0xFFFFE003, lr  }
0x1b: {  	s9 =	sadd.s32 $0xFFFFFEF7, lr;
	s5 =	simm.s32 $0xFFFFFFFF;
	p2 =	slt.u32 s8, $0xFFFFF086  }
0x1c: {  	p1 =	slt.u32 s9, $0xF7A;
	s5 =	simm.s32 @!p2 $0x0  }
0x1d: {  	s5 =	simm.s32 @p1 $0x1;
	p0 =	seq.s32 s7, s2  }
0x1e: {  	s7 =	smul.u32 @!p0 $0xF7A, s2;
	p2 =	seq.s32 @!p0 s5, $0x0  }
0x1f: {  	s9 =	smul.u32 $0xF7A, s1;
	s8 =	simm.s32 @!p0 $0x1BF5;
	p2 =	por !p2, p0  }
0x20: {  	[sflag:s8] =	ssyncset.s32 @!p0 $0xFFFFF086;
	s6 =	sadd.s32 @!p0 s3, s7;
	s7 =	simm.s32 @!p0 $0x108  }
0x21: {  	s3 =	sadd.s32 s3, s9;
	s6 =	sadd.s32 @!p0 $0x88, s6;
	s7 =	simm.s32 @p2 $0x1082  }
0x22: {  	[simem:s7], [sflag:s8] =	dma.local @!p0 [hbm:s6], $0xF7A  }
0x23: {  	s9 =	sor.u32 $0xD0000000, s2;
	s6 =	simm.s32 $0x108;
	_ =	swait.ge @!p0 [sflag:s8], $0x0  }
0x24: {  	s3 =	sadd.s32 $0x88, s3;
	s6 =	simm.s32 @!p1 $0x1082;
	[sflag:s4] =	ssyncset.s32 $0xFFFFF086  }
0x25: {  	[simem:s6], [sflag:s4] =	dma.local [hbm:s3], $0xF7A  }
0x26: {  	[smem:$0x3F9C] =	sst s1;
	(tag) =	ssettag s2;
	_ =	strace s9  }
0x27: {  	s1 =	sld [smem:$0x3FAC]  }
0x28: {  	s2 =	sld [smem:$0x3FAD]  }
0x29: {  	s4 =	sld [smem:$0x3FAF]  }
0x2a: {  	p0 =	seq.s32 s5, $0x0;
	s5 =	sld [smem:$0x3FB0]  }
0x2b: {  	s6 =	sld [smem:$0x3FB1]  }
0x2c: {  	s7 =	sld [smem:$0x3FB2]  }
0x2d: {  	s3 =	simm.s32 $0x108;
	s8 =	sld [smem:$0x3FB3]  }
0x2e: {  	s3 =	simm.s32 @!p0 $0x1082;
	s9 =	sld [smem:$0x3FB4]  }
0x2f: {  	lr =	sadd.s32 s0, s3;
	s0 =	sld [smem:$0x3FAB]  }
0x30: {  	s3 =	sld [smem:$0x3FAE]  }
0x31: {  	[smem:$0x3FB7] =	sst s10  }
0x32: {  	s10 =	sld [smem:$0x3FB5];
	_ =	sdelay $0x3  }
0x33: {  	p0 =	seq.s32 s10, $0x1;
	s10 =	sld [smem:$0x3FB7];
	_ =	sdelay $0x3  }
0x34: {  	[smem:$0x3FB7] =	sst s10  }
0x35: {  	s10 =	sld [smem:$0x3FB6];
	_ =	sdelay $0x3  }
0x36: {  	p1 =	seq.s32 s10, $0x1;
	s10 =	sld [smem:$0x3FB7];
	_ =	sdelay $0x3  }
0x37: {  	[smem:$0x3FB7] =	sst s10  }
0x38: {  	s10 =	sld [smem:$0x3FB8]  }
0x39: {  	_ = 	snop;
	(pc) =	sbr.ind lr, $3  }
0x3a: {  	_ = 	snop  }
0x3b: {  	_ = 	snop  }
0x3c: {  	p2 =	seq.s32 s10, $0x1;
	s10 =	sld [smem:$0x3FB7]  }
0x3d: {  	_ =	shalt  }
0x3e: {  	_ =	shalt  }
0x3f: {  	_ =	shalt  }
0x40: {  	_ =	shalt  }
0x41: {  	_ =	shalt  }
0x42: {  	_ =	shalt  }
0x43: {  	_ =	shalt  }
0x44: {  	_ =	shalt  }
0x45: {  	_ =	shalt  }
0x46: {  	_ =	shalt  }
0x47: {  	_ =	shalt  }
0x48: {  	_ =	shalt  }
0x49: {  	_ =	shalt  }
0x4a: {  	_ =	shalt  }
0x4b: {  	_ =	shalt  }
0x4c: {  	_ =	shalt  }
0x4d: {  	_ =	shalt  }
0x4e: {  	_ =	shalt  }
0x4f: {  	_ =	shalt  }
0x50: {  	_ =	shalt  }
0x51: {  	_ =	shalt  }
0x52: {  	_ =	shalt  }
0x53: {  	_ =	shalt  }
0x54: {  	_ =	shalt  }
0x55: {  	_ =	shalt  }
0x56: {  	_ =	shalt  }
0x57: {  	_ =	shalt  }
0x58: {  	_ =	shalt  }
0x59: {  	_ =	shalt  }
0x5a: {  	_ =	shalt  }
0x5b: {  	_ =	shalt  }
0x5c: {  	_ =	shalt  }
0x5d: {  	_ =	shalt  }
0x5e: {  	_ =	shalt  }
0x5f: {  	_ =	shalt  }
0x60: {  	_ =	shalt  }
0x61: {  	_ =	shalt  }
0x62: {  	_ =	shalt  }
0x63: {  	_ =	shalt  }
0x64: {  	_ =	shalt  }
0x65: {  	_ =	shalt  }
0x66: {  	_ =	shalt  }
0x67: {  	_ =	shalt  }
0x68: {  	_ =	shalt  }
0x69: {  	_ =	shalt  }
0x6a: {  	_ =	shalt  }
0x6b: {  	_ =	shalt  }
0x6c: {  	_ =	shalt  }
0x6d: {  	_ =	shalt  }
0x6e: {  	_ =	shalt  }
0x6f: {  	_ =	shalt  }
0x70: {  	_ =	shalt  }
0x71: {  	_ =	shalt  }
0x72: {  	_ =	shalt  }
0x73: {  	_ =	shalt  }
0x74: {  	_ =	shalt  }
0x75: {  	_ =	shalt  }
0x76: {  	_ =	shalt  }
0x77: {  	_ =	shalt  }
0x78: {  	_ =	shalt  }
0x79: {  	_ =	shalt  }
0x7a: {  	_ =	shalt  }
0x7b: {  	_ =	shalt  }
0x7c: {  	_ =	shalt  }
0x7d: {  	_ =	shalt  }
0x7e: {  	_ =	shalt  }
0x7f: {  	_ =	shalt  }
0x80: {  	_ =	shalt  }
0x81: {  	_ =	shalt  }
0x82: {  	_ =	shalt  }
0x83: {  	_ =	shalt  }
0x84: {  	_ =	shalt  }
0x85: {  	_ =	shalt  }
0x86: {  	_ =	shalt  }
0x87: {  	_ =	shalt  }
.Lfunc_end0:
.L_simem_size_0:
called_computation_lowered:
.L_overlay_start_0:
0x88: {  	s2 =	sld [smem:$0x3FD9]  }
0x89: {  	s3 =	sld [smem:$0x3FFE];
	_ =	sdelay $0x1  }
0x8a: {  	s1 =	srdreg.scid  }
0x8b: {  	s0 =	sand.u32 $0x1, s1  }
0x8c: {  	s17 =	sshll.u32 s0, $0xA;
	s2 =	sadd.s32 s3, s2  }
0x8d: {  	s2 =	sadd.s32 s2, s17  }
0x8e: {  	[smem:$0x3FC3] =	sst s2  }
0x8f: {  	_ = 	snop  }
0x90: {  	s2 =	sld [smem:$0x3FD0];
	(tm) =	ssettm $0x1  }
0x91: {  	s18 =	sld [smem:$0x3FFB];
	_ =	sdelay $0x3  }
0x92: {  	_ =	strace s18  }
0x93: {  	s3 =	sld [smem:$0x3FFC];
	_ =	sdelay $0x3  }
0x94: {  	_ =	strace s3  }
0x95: {  	s3 =	sld [smem:$0x3FFD];
	_ =	sdelay $0x3  }
0x96: {  	_ =	strace s3  }
0x97: {  	_ =	strace $0x8FFFFFFF  }
0x98: {  	s19 =	sld [smem:$0x3FDB];
	_ =	sdelay $0x1  }
0x99: {  	s4 =	simm.s32 $_scs_section_size  }
0x9a: {  	s5 =	simm.s32 $_size__tile_overlayer_lowered;
	s6 =	simm.s32 $_tile_overlayer_lowered  }
0x9b: {  	s22 =	simm.s32 $0x1BFF;
	s21 =	sshll.u32 s6, $0x1;
	s3 =	sadd.s32 s4, s19  }
0x9c: {  	s7 =	simm.s32 $0x0;
	s20 =	sshll.u32 s5, $0x1;
	s5 =	sadd.s32 s21, s3  }
0x9d: {  	[timem:s7], [sflag:s22] =	dma.local [hbm:s5], s20  }
0x9e: {  	_ =	swait.ge [sflag:s22], s20  }
0x9f: {  	s4 =	ssub.s32 $0x0, s20;
	[sflag:s22] =	ssyncset.done $0x0  }
0xa0: {  	[sflag:s22] =	ssyncadd.s32 s4;
	_ =	sdelay $0x1  }
0xa1: {  	s23 =	simm.s32 $0x1B8B  }
0xa2: {  	_ =	swait.ge [sflag:s23], $0x1  }
0xa3: {  	[sflag:s23] =	ssyncset.done $0x0  }
0xa4: {  	s25 =	simm.s32 $0x1B8E;
	s24 =	sld [smem:$0x3FFE];
	[sflag:s23] =	ssyncadd.s32 $0xFFFFFFFF  }
0xa5: {  	s26 =	simm.s32 $execute0_lowered;
	[smem:$0x3FD2] =	sst s25  }
0xa6: {  	s5 =	sshll.u32 s26, $0x1;
	_ =	strace $0x80000046;
	[dreg:$0x1] =	wrdreg $0xFFFFFFFF  }
0xa7: {  	s28 =	simm.s32 $_size_execute0_lowered;
	s3 =	sadd.s32 s3, s5;
	[dreg:$0x0] =	wrdreg $0x0  }
0xa8: {  	s5 =	sshll.u32 s28, $0x1;
	[dreg:$0x2] =	wrdreg s3  }
0xa9: {  	[dreg:$0x3] =	wrdreg s5  }
0xaa: {  	[dreg:$0x4] =	wrdreg $0xC0  }
0xab: {  	_ =	task [dreg:s7], $0x5FFFF  }
0xac: {  	[dreg:$0x1] =	wrdreg $0xFFFFFFFF  }
0xad: {  	[dreg:$0x0] =	wrdreg $0x60  }
0xae: {  	[dreg:$0x2] =	wrdreg s2  }
0xaf: {  	[dreg:$0x3] =	wrdreg s24  }
0xb0: {  	[dreg:$0x4] =	wrdreg $0x9  }
0xb1: {  	_ =	task.clear_ibuf [dreg:s7], $0x5FFFF;
	_ =	strace $0x90000046  }
0xb2: {  	s29 =	simm.s32 $0x9;
	_ =	strace $0x80000048  }
0xb3: {  	_ =	swait.ge [sflag:s29], $0x1  }
0xb4: {  	[sflag:s29] =	ssyncadd.s32 $0xFFFFFFFF  }
0xb5: {  	_ =	strace $0x90000048  }
0xb6: {  	_ =	sfence  }
0xb7: {  	s30 =	sld [smem:$0x0];
	_ =	sdelay $0x2  }
0xb8: {  	s31 =	sshll.u32 s1, $0xD;
	s1 =	sshrl.u32 s1, $0x2  }
0xb9: {  	s3 =	sand.u32 $0x4000, s31;
	s1 =	sadd.s32 s1, s30  }
0xba: {  	s0 =	sor.u32 s3, s0;
	s1 =	sshll.u32 s1, $0x11  }
0xbb: {  	s0 =	sor.u32 s1, s0  }
0xbc: {  	s0 =	sadd.s32 $0x8F2B, s0  }
0xbd: {  	[sflag:s0] =	ssyncadd.remote.s32 $0x1  }
0xbe: {  	_ =	sfence.sel $0xFFFF  }
0xbf: {  	[dreg:$0x0] =	wrdreg $0xFFFFFFFF;
	(pc) =	sbr.abs _section_cstart, $3  }
0xc0: {  	[dreg:$0x1] =	wrdreg $0xFFFFFFFF  }
0xc1: {  	_ =	task.clear_ibuf [dreg:s7], $0x2FFFF;
	_ =	strace $0x9FFFFFFF  }
0xc2: {  	(tm) =	ssettm $0x7FFFFFFF  }
0xc3: {  	_ =	shalt  }
tec
execute0_lowered:
.L_overlay_start_1:
0x0: {  	(tag) =	ssettag $0x1  }
0x1: {  	s1 =	srdreg.scid;
	s2 =	rddreg [dreg:$0x0]  }
0x2: {  	s0 =	stileid.u32;
	s4 =	rddreg [dreg:$0x1]  }
0x3: {  	s3 =	simm.s32 $0x0;
	s13 =	simm.s32 $0xC80;
	s14 =	simm.s32 $0x1C80  }
0x4: {  	s15 =	simm.s32 $0x2C80;
	s16 =	simm.s32 $0x3C80;
	s17 =	simm.s32 $0x4C80  }
0x5: {  	s18 =	simm.s32 $0x1;
	s19 =	simm.s32 $0x2;
	s6 =	smul.u32 $0x1900, s0  }
0x6: {  	s20 =	simm.s32 $0x0;
	s7 =	sand.u32 $0x1, s1;
	s31 =	smul.u32 $0x6400, s0  }
0x7: {  	s28 =	sshll.u32 s0, $0x1;
	[smem:$0x7FF] =	sst s3;
	s8 =	smul.u32 $0xC80, s7  }
0x8: {  	s11 =	sadd.s32 $0x4200, s4;
	s1 =	sor.u32 s7, s28;
	s12 =	smul.u32 $0x3200, s7  }
0x9: {  	s9 =	ssub.s32 $0x2, s7;
	s5 =	smul.u32 $0xC80, s1;
	s1 =	rddreg [dreg:$0x2]  }
0xa: {  	_ =	strace $0x80000047;
	s10 =	sshrl.u32 s9, $0x1;
	s6 =	sadd.s32 s8, s6  }
0xb: {  	s29 =	ssub.s32 s9, s10;
	s10 =	sadd.s32 s31, s11;
	s5 =	sshrl.u32 s5, $0x3  }
0xc: {  	s6 =	sshll.u32 s6, $0x2;
	s10 =	sadd.s32 s12, s10;
	s12 =	simm.s32 $0x80  }
0xd: {  	s5 =	sadd.s32 s5, s4;
	s30 =	sadd.s32 s11, s6;
	s11 =	simm.s32 $0x3  }
0xe: {  	s4 =	sadd.s32 $0x1000, s5;
	s5 =	smax.u32 s29, $0x1;
	s6 =	sadd.s32 $0x800, s30  }
0xf: {  	s7 =	sadd.s32 $0x600, s30;
	s8 =	sadd.s32 $0x400, s30;
	s9 =	sadd.s32 $0x200, s30  }
.LBB2_1:
0x10: {  	[tilespmem:s3], [sflag:$0x3] =	stream.linear.gather [hbm4b:s4+s3], $0xC80, $0x38;
	[tilespmem:$0x5C80] =	vst v63  }
0x11: {  	_ =	swait.ge [sflag:s11], $0xC80  }
0x12: {  	[sflag:s11] =	ssyncset.done $0x0  }
0x13: {  	s21 =	simm.s32 $0x0;
	[sflag:s11] =	ssyncadd.s32 $0xFFFFF380  }
0x14: {  	[tilespmem:s13], [sflag:$0x1] =	stream.indirect.gather [hbm4b:s2+s12], $0x20, s21, s12, $0xb8;
	[tilespmem:$0x5C80] =	vst v63  }
0x15: {  	s22 =	simm.s32 $0x80  }
0x16: {  	[tilespmem:s14], [sflag:$0x1] =	stream.indirect.gather [hbm4b:s2+s12], $0x20, s22, s12, $0xb8;
	[tilespmem:$0x5C80] =	vst v63  }
0x17: {  	s23 =	simm.s32 $0x100  }
0x18: {  	[tilespmem:s15], [sflag:$0x1] =	stream.indirect.gather [hbm4b:s2+s12], $0x20, s23, s12, $0xb8;
	[tilespmem:$0x5C80] =	vst v63  }
0x19: {  	s24 =	simm.s32 $0x180  }
0x1a: {  	[tilespmem:s16], [sflag:$0x1] =	stream.indirect.gather [hbm4b:s2+s12], $0x20, s24, s12, $0xb8;
	[tilespmem:$0x5C80] =	vst v63  }
0x1b: {  	s25 =	simm.s32 $0x200  }
0x1c: {  	[tilespmem:s17], [sflag:$0x1] =	stream.indirect.gather [hbm4b:s2+s12], $0x20, s25, s12, $0xb8;
	[tilespmem:$0x5C80] =	vst v63  }
0x1d: {  	_ =	swait.ge [sflag:s18], $0x1000  }
0x1e: {  	[sflag:s18] =	ssyncset.done $0x0  }
0x1f: {  	[sflag:s18] =	ssyncadd.s32 $0xFFFFF000  }
0x20: {  	_ =	swait.ge [sflag:s18], $0x1000  }
0x21: {  	[sflag:s18] =	ssyncset.done $0x0  }
0x22: {  	[sflag:s18] =	ssyncadd.s32 $0xFFFFF000  }
0x23: {  	_ =	swait.ge [sflag:s18], $0x1000  }
0x24: {  	[sflag:s18] =	ssyncset.done $0x0  }
0x25: {  	[sflag:s18] =	ssyncadd.s32 $0xFFFFF000  }
0x26: {  	_ =	swait.ge [sflag:s18], $0x1000  }
0x27: {  	[sflag:s18] =	ssyncset.done $0x0  }
0x28: {  	[sflag:s18] =	ssyncadd.s32 $0xFFFFF000  }
0x29: {  	_ =	swait.ge [sflag:s18], $0x1000  }
0x2a: {  	[sflag:s18] =	ssyncset.done $0x0  }
0x2b: {  	s26 =	sadd.s32 $0x0, s10;
	[sflag:s18] =	ssyncadd.s32 $0xFFFFF000  }
0x2c: {  	[hbm4b:s26+s3] =	stream.linear.scatter [tilespmem:s13], [sflag:$0x2], $0x1000, $0x38;
	[tilespmem:$0x5C80] =	vst v63  }
0x2d: {  	s28 =	sadd.s32 $0x0, s9  }
0x2e: {  	[hbm4b:s28+s3] =	stream.linear.scatter [tilespmem:s14], [sflag:$0x2], $0x1000, $0x38;
	[tilespmem:$0x5C80] =	vst v63  }
0x2f: {  	s29 =	sadd.s32 $0x0, s8  }
0x30: {  	[hbm4b:s29+s3] =	stream.linear.scatter [tilespmem:s15], [sflag:$0x2], $0x1000, $0x38;
	[tilespmem:$0x5C80] =	vst v63  }
0x31: {  	s30 =	sadd.s32 $0x0, s7  }
0x32: {  	[hbm4b:s30+s3] =	stream.linear.scatter [tilespmem:s16], [sflag:$0x2], $0x1000, $0x38;
	[tilespmem:$0x5C80] =	vst v63  }
0x33: {  	s31 =	sadd.s32 $0x0, s6  }
0x34: {  	[hbm4b:s31+s3] =	stream.linear.scatter [tilespmem:s17], [sflag:$0x2], $0x1000, $0x38;
	[tilespmem:$0x5C80] =	vst v63  }
0x35: {  	_ =	swait.ge [sflag:s19], $0x1000  }
0x36: {  	[sflag:s19] =	ssyncset.done $0x0  }
0x37: {  	[sflag:s19] =	ssyncadd.s32 $0xFFFFF000  }
0x38: {  	_ =	swait.ge [sflag:s19], $0x1000  }
0x39: {  	[sflag:s19] =	ssyncset.done $0x0  }
0x3a: {  	[sflag:s19] =	ssyncadd.s32 $0xFFFFF000  }
0x3b: {  	_ =	swait.ge [sflag:s19], $0x1000  }
0x3c: {  	[sflag:s19] =	ssyncset.done $0x0  }
0x3d: {  	[sflag:s19] =	ssyncadd.s32 $0xFFFFF000  }
0x3e: {  	_ =	swait.ge [sflag:s19], $0x1000  }
0x3f: {  	[sflag:s19] =	ssyncset.done $0x0  }
0x40: {  	[sflag:s19] =	ssyncadd.s32 $0xFFFFF000  }
0x41: {  	_ =	swait.ge [sflag:s19], $0x1000  }
0x42: {  	s21 =	simm.s32 $0xA00;
	s24 =	simm.s32 $0x1400;
	[sflag:s19] =	ssyncset.done $0x0  }
.LBB2_2:
0x43: {  	s25 =	sshra.s32 s21, $0x2  }
0x44: {  	[sflag:s19] =	ssyncadd.s32 $0xFFFFF000;
	s23 =	smov.u32 s24;
	s22 =	sadd.s32 $0xA00, s24  }
0x45: {  	[tilespmem:s13], [sflag:$0x1] =	stream.indirect.gather [hbm4b:s2+s12], $0x20, s25, s12, $0xb8;
	[tilespmem:$0x5C80] =	vst v63  }
0x46: {  	p0 =	sne.s32 s24, $0x2800;
	s24 =	sadd.s32 $0x80, s25  }
0x47: {  	[tilespmem:s14], [sflag:$0x1] =	stream.indirect.gather [hbm4b:s2+s12], $0x20, s24, s12, $0xb8;
	[tilespmem:$0x5C80] =	vst v63  }
0x48: {  	s24 =	sadd.s32 $0x100, s25  }
0x49: {  	[tilespmem:s15], [sflag:$0x1] =	stream.indirect.gather [hbm4b:s2+s12], $0x20, s24, s12, $0xb8;
	[tilespmem:$0x5C80] =	vst v63  }
0x4a: {  	s24 =	sadd.s32 $0x180, s25  }
0x4b: {  	[tilespmem:s16], [sflag:$0x1] =	stream.indirect.gather [hbm4b:s2+s12], $0x20, s24, s12, $0xb8;
	[tilespmem:$0x5C80] =	vst v63  }
0x4c: {  	s24 =	sadd.s32 $0x200, s25  }
0x4d: {  	[tilespmem:s17], [sflag:$0x1] =	stream.indirect.gather [hbm4b:s2+s12], $0x20, s24, s12, $0xb8;
	[tilespmem:$0x5C80] =	vst v63  }
0x4e: {  	_ =	swait.ge [sflag:s18], $0x1000  }
0x4f: {  	[sflag:s18] =	ssyncset.done $0x0  }
0x50: {  	[sflag:s18] =	ssyncadd.s32 $0xFFFFF000  }
0x51: {  	_ =	swait.ge [sflag:s18], $0x1000  }
0x52: {  	[sflag:s18] =	ssyncset.done $0x0  }
0x53: {  	[sflag:s18] =	ssyncadd.s32 $0xFFFFF000  }
0x54: {  	_ =	swait.ge [sflag:s18], $0x1000  }
0x55: {  	[sflag:s18] =	ssyncset.done $0x0  }
0x56: {  	[sflag:s18] =	ssyncadd.s32 $0xFFFFF000  }
0x57: {  	_ =	swait.ge [sflag:s18], $0x1000  }
0x58: {  	[sflag:s18] =	ssyncset.done $0x0  }
0x59: {  	[sflag:s18] =	ssyncadd.s32 $0xFFFFF000  }
0x5a: {  	_ =	swait.ge [sflag:s18], $0x1000  }
0x5b: {  	[sflag:s18] =	ssyncset.done $0x0  }
0x5c: {  	s24 =	sadd.s32 s21, s10;
	[sflag:s18] =	ssyncadd.s32 $0xFFFFF000  }
0x5d: {  	[hbm4b:s24+s3] =	stream.linear.scatter [tilespmem:s13], [sflag:$0x2], $0x1000, $0x38;
	[tilespmem:$0x5C80] =	vst v63  }
0x5e: {  	s24 =	sadd.s32 s21, s9  }
0x5f: {  	[hbm4b:s24+s3] =	stream.linear.scatter [tilespmem:s14], [sflag:$0x2], $0x1000, $0x38;
	[tilespmem:$0x5C80] =	vst v63  }
0x60: {  	s24 =	sadd.s32 s21, s8  }
0x61: {  	[hbm4b:s24+s3] =	stream.linear.scatter [tilespmem:s15], [sflag:$0x2], $0x1000, $0x38;
	[tilespmem:$0x5C80] =	vst v63  }
0x62: {  	s24 =	sadd.s32 s21, s7  }
0x63: {  	[hbm4b:s24+s3] =	stream.linear.scatter [tilespmem:s16], [sflag:$0x2], $0x1000, $0x38;
	[tilespmem:$0x5C80] =	vst v63  }
0x64: {  	s24 =	sadd.s32 s21, s6;
	s21 =	smov.u32 s23  }
0x65: {  	[hbm4b:s24+s3] =	stream.linear.scatter [tilespmem:s17], [sflag:$0x2], $0x1000, $0x38;
	[tilespmem:$0x5C80] =	vst v63  }
0x66: {  	_ =	swait.ge [sflag:s19], $0x1000  }
0x67: {  	[sflag:s19] =	ssyncset.done $0x0  }
0x68: {  	[sflag:s19] =	ssyncadd.s32 $0xFFFFF000  }
0x69: {  	_ =	swait.ge [sflag:s19], $0x1000  }
0x6a: {  	[sflag:s19] =	ssyncset.done $0x0  }
0x6b: {  	[sflag:s19] =	ssyncadd.s32 $0xFFFFF000  }
0x6c: {  	_ =	swait.ge [sflag:s19], $0x1000  }
0x6d: {  	[sflag:s19] =	ssyncset.done $0x0  }
0x6e: {  	[sflag:s19] =	ssyncadd.s32 $0xFFFFF000  }
.Ltmp0:
0x6f: {  	_ =	swait.ge [sflag:s19], $0x1000;
	(pc) =	sbr.rel @p0 .LBB2_2-.Ltmp0, $4  }
0x70: {  	[sflag:s19] =	ssyncset.done $0x0  }
0x71: {  	[sflag:s19] =	ssyncadd.s32 $0xFFFFF000  }
0x72: {  	_ =	swait.ge [sflag:s19], $0x1000  }
0x73: {  	s24 =	smov.u32 s22;
	[sflag:s19] =	ssyncset.done $0x0  }
0x74: {  	s22 =	sshra.s32 s21, $0x2;
	[sflag:s19] =	ssyncadd.s32 $0xFFFFF000  }
0x75: {  	[tilespmem:s13], [sflag:$0x1] =	stream.indirect.gather [hbm4b:s2+s12], $0x20, s22, s12, $0xb8;
	[tilespmem:$0x5C80] =	vst v63  }
0x76: {  	s23 =	sadd.s32 $0x80, s22  }
0x77: {  	[tilespmem:s14], [sflag:$0x1] =	stream.indirect.gather [hbm4b:s2+s12], $0x20, s23, s12, $0xb8;
	[tilespmem:$0x5C80] =	vst v63  }
0x78: {  	s24 =	sadd.s32 $0x100, s22  }
0x79: {  	[tilespmem:s15], [sflag:$0x1] =	stream.indirect.gather [hbm4b:s2+s12], $0x20, s24, s12, $0xb8;
	[tilespmem:$0x5C80] =	vst v63  }
0x7a: {  	s25 =	sadd.s32 $0x180, s22  }
0x7b: {  	[tilespmem:s16], [sflag:$0x1] =	stream.indirect.gather [hbm4b:s2+s12], $0x20, s25, s12, $0xb8;
	[tilespmem:$0x5C80] =	vst v63  }
0x7c: {  	s22 =	sadd.s32 $0x200, s22  }
0x7d: {  	[tilespmem:s17], [sflag:$0x1] =	stream.indirect.gather [hbm4b:s2+s12], $0x20, s22, s12, $0xb8;
	[tilespmem:$0x5C80] =	vst v63  }
0x7e: {  	_ =	swait.ge [sflag:s18], $0x1000  }
0x7f: {  	[sflag:s18] =	ssyncset.done $0x0  }
0x80: {  	[sflag:s18] =	ssyncadd.s32 $0xFFFFF000  }
0x81: {  	_ =	swait.ge [sflag:s18], $0x1000  }
0x82: {  	[sflag:s18] =	ssyncset.done $0x0  }
0x83: {  	[sflag:s18] =	ssyncadd.s32 $0xFFFFF000  }
0x84: {  	_ =	swait.ge [sflag:s18], $0x1000  }
0x85: {  	[sflag:s18] =	ssyncset.done $0x0  }
0x86: {  	[sflag:s18] =	ssyncadd.s32 $0xFFFFF000  }
0x87: {  	_ =	swait.ge [sflag:s18], $0x1000  }
0x88: {  	[sflag:s18] =	ssyncset.done $0x0  }
0x89: {  	[sflag:s18] =	ssyncadd.s32 $0xFFFFF000  }
0x8a: {  	_ =	swait.ge [sflag:s18], $0x1000  }
0x8b: {  	[sflag:s18] =	ssyncset.done $0x0  }
0x8c: {  	s26 =	sadd.s32 s21, s10;
	[sflag:s18] =	ssyncadd.s32 $0xFFFFF000  }
0x8d: {  	[hbm4b:s26+s3] =	stream.linear.scatter [tilespmem:s13], [sflag:$0x2], $0x1000, $0x38;
	[tilespmem:$0x5C80] =	vst v63  }
0x8e: {  	s28 =	sadd.s32 s21, s9  }
0x8f: {  	[hbm4b:s28+s3] =	stream.linear.scatter [tilespmem:s14], [sflag:$0x2], $0x1000, $0x38;
	[tilespmem:$0x5C80] =	vst v63  }
0x90: {  	s29 =	sadd.s32 s21, s8  }
0x91: {  	[hbm4b:s29+s3] =	stream.linear.scatter [tilespmem:s15], [sflag:$0x2], $0x1000, $0x38;
	[tilespmem:$0x5C80] =	vst v63  }
0x92: {  	s30 =	sadd.s32 s21, s7  }
0x93: {  	[hbm4b:s30+s3] =	stream.linear.scatter [tilespmem:s16], [sflag:$0x2], $0x1000, $0x38;
	[tilespmem:$0x5C80] =	vst v63  }
0x94: {  	s31 =	sadd.s32 s21, s6  }
0x95: {  	[hbm4b:s31+s3] =	stream.linear.scatter [tilespmem:s17], [sflag:$0x2], $0x1000, $0x38;
	[tilespmem:$0x5C80] =	vst v63  }
0x96: {  	_ =	swait.ge [sflag:s19], $0x1000  }
0x97: {  	[sflag:s19] =	ssyncset.done $0x0  }
0x98: {  	[sflag:s19] =	ssyncadd.s32 $0xFFFFF000  }
0x99: {  	_ =	swait.ge [sflag:s19], $0x1000  }
0x9a: {  	[sflag:s19] =	ssyncset.done $0x0  }
0x9b: {  	[sflag:s19] =	ssyncadd.s32 $0xFFFFF000  }
0x9c: {  	_ =	swait.ge [sflag:s19], $0x1000  }
0x9d: {  	[sflag:s19] =	ssyncset.done $0x0  }
0x9e: {  	s20 =	sadd.s32 $0x1, s20;
	[sflag:s19] =	ssyncadd.s32 $0xFFFFF000  }
0x9f: {  	p0 =	sne.s32 s20, s5;
	_ =	swait.ge [sflag:s19], $0x1000  }
.Ltmp1:
0xa0: {  	[sflag:s19] =	ssyncset.done $0x0;
	(pc) =	sbr.rel @p0 .LBB2_1-.Ltmp1, $4  }
0xa1: {  	[sflag:s19] =	ssyncadd.s32 $0xFFFFF000  }
0xa2: {  	_ =	swait.ge [sflag:s19], $0x1000  }
0xa3: {  	[sflag:s19] =	ssyncset.done $0x0  }
0xa4: {  	[sflag:s19] =	ssyncadd.s32 $0xFFFFF000  }
0xa5: {  	_ =	sfence.sel $0x180000  }
0xa6: {  	[bflag:$0x0] =	sbarrier.arrive $0xFFFF  }
0xa7: {  	p0 =	sne.s32 s0, $0x0;
	_ =	strace $0x90000047  }
0xa8: {  	s0 =	sadd.s32 @!p0 $0x100000, s1;
	[bflag:$0x2] =	sbarrier.arrive $0xFFFF  }
0xa9: {  	[sflag:s0] =	ssyncadd.tile.s32 @!p0 $0x1;
	_ =	shalt  }
.Lfunc_end2:
_tile_overlayer_lowered:
.L_overlay_start_2:
0xaa: {  	(tag) =	ssettag $0x2  }
0xab: {  	s0 =	rddreg [dreg:$0x0];
	s2 =	stileid.u32  }
0xac: {  	s1 =	rddreg [dreg:$0x1];
	p0 =	sne.s32 s2, $0x0  }
0xad: {  	s3 =	rddreg [dreg:$0x2];
	[bflag:$0x3] =	sbarrier.arrive $0xFFFF;
	s2 =	simm.s32 @!p0 $0x1C03  }
0xae: {  	[timem:s3], [sflag:s2] =	dma.local @!p0 [hbm:s0], s1  }
0xaf: {  	s0 =	simm.s32 @!p0 $0x3  }
0xb0: {  	_ =	swait.ge @!p0 [sflag:s0], s1  }
0xb1: {  	s1 =	ssub.s32 @!p0 $0x0, s1;
	[sflag:s0] =	ssyncset.done @!p0 $0x0  }
0xb2: {  	[sflag:s0] =	ssyncadd.s32 @!p0 s1  }
0xb3: {  	[bflag:$0x3] =	sbarrier.arrive $0xFFFF  }
0xb4: {  	_ =	shalt  }

// kernel: kernel.9.cloned.1.call-start
scs
__scs_entry_jumppad:
0x0: {  	(pc) =	sbr.rel $0x88, $3  }
0x1: {  	(tag) =	ssettag $0x0;
	lr =	simm.s32 $0x1  }
0x2: {  	[smem:$0x3F9C] =	sst lr;
	_ =	strace $0xD0000000  }
0x3: {  	_ = 	snop  }
0x4: {  	_ = 	snop  }
0x5: {  	_ = 	snop  }
0x6: {  	_ = 	snop  }
0x7: {  	_ = 	snop  }
__scs_overlays_trampoline_lowered:
0x8: {  	[smem:$0x3FAB] =	sst s0  }
0x9: {  	[smem:$0x3FAC] =	sst s1  }
0xa: {  	[smem:$0x3FAD] =	sst s2  }
0xb: {  	[smem:$0x3FAE] =	sst s3  }
0xc: {  	[smem:$0x3FAF] =	sst s4  }
0xd: {  	[smem:$0x3FB0] =	sst s5  }
0xe: {  	[smem:$0x3FB1] =	sst s6  }
0xf: {  	[smem:$0x3FB2] =	sst s7  }
0x10: {  	[smem:$0x3FB3] =	sst s8  }
0x11: {  	[smem:$0x3FB4] =	sst s9;
	s0 =	simm.s32 @!p0 $0x0  }
0x12: {  	s1 =	sld [smem:$0x3F9A];
	s0 =	simm.s32 @p0 $0x1  }
0x13: {  	[smem:$0x3FB5] =	sst s0;
	s0 =	simm.s32 @!p1 $0x0  }
0x14: {  	s2 =	sld [smem:$0x3F99];
	s0 =	simm.s32 @p1 $0x1  }
0x15: {  	[smem:$0x3FB6] =	sst s0;
	s0 =	simm.s32 @!p2 $0x0  }
0x16: {  	s3 =	sld [smem:$0x3FDB];
	s0 =	simm.s32 @p2 $0x1  }
0x17: {  	s4 =	simm.s32 $0x1BF5;
	[smem:$0x3FB8] =	sst s0  }
0x18: {  	s0 =	sld [smem:$0x3F9B];
	_ =	swait.ge [sflag:s4], $0x0  }
0x19: {  	s7 =	sld [smem:$0x3F9C]  }
0x1a: {  	s8 =	sadd.s32 $0xFFFFE003, lr  }
0x1b: {  	s9 =	sadd.s32 $0xFFFFFEF7, lr;
	s5 =	simm.s32 $0xFFFFFFFF;
	p2 =	slt.u32 s8, $0xFFFFF086  }
0x1c: {  	p1 =	slt.u32 s9, $0xF7A;
	s5 =	simm.s32 @!p2 $0x0  }
0x1d: {  	s5 =	simm.s32 @p1 $0x1;
	p0 =	seq.s32 s7, s2  }
0x1e: {  	s7 =	smul.u32 @!p0 $0xF7A, s2;
	p2 =	seq.s32 @!p0 s5, $0x0  }
0x1f: {  	s9 =	smul.u32 $0xF7A, s1;
	s8 =	simm.s32 @!p0 $0x1BF5;
	p2 =	por !p2, p0  }
0x20: {  	[sflag:s8] =	ssyncset.s32 @!p0 $0xFFFFF086;
	s6 =	sadd.s32 @!p0 s3, s7;
	s7 =	simm.s32 @!p0 $0x108  }
0x21: {  	s3 =	sadd.s32 s3, s9;
	s6 =	sadd.s32 @!p0 $0x88, s6;
	s7 =	simm.s32 @p2 $0x1082  }
0x22: {  	[simem:s7], [sflag:s8] =	dma.local @!p0 [hbm:s6], $0xF7A  }
0x23: {  	s9 =	sor.u32 $0xD0000000, s2;
	s6 =	simm.s32 $0x108;
	_ =	swait.ge @!p0 [sflag:s8], $0x0  }
0x24: {  	s3 =	sadd.s32 $0x88, s3;
	s6 =	simm.s32 @!p1 $0x1082;
	[sflag:s4] =	ssyncset.s32 $0xFFFFF086  }
0x25: {  	[simem:s6], [sflag:s4] =	dma.local [hbm:s3], $0xF7A  }
0x26: {  	[smem:$0x3F9C] =	sst s1;
	(tag) =	ssettag s2;
	_ =	strace s9  }
0x27: {  	s1 =	sld [smem:$0x3FAC]  }
0x28: {  	s2 =	sld [smem:$0x3FAD]  }
0x29: {  	s4 =	sld [smem:$0x3FAF]  }
0x2a: {  	p0 =	seq.s32 s5, $0x0;
	s5 =	sld [smem:$0x3FB0]  }
0x2b: {  	s6 =	sld [smem:$0x3FB1]  }
0x2c: {  	s7 =	sld [smem:$0x3FB2]  }
0x2d: {  	s3 =	simm.s32 $0x108;
	s8 =	sld [smem:$0x3FB3]  }
0x2e: {  	s3 =	simm.s32 @!p0 $0x1082;
	s9 =	sld [smem:$0x3FB4]  }
0x2f: {  	lr =	sadd.s32 s0, s3;
	s0 =	sld [smem:$0x3FAB]  }
0x30: {  	s3 =	sld [smem:$0x3FAE]  }
0x31: {  	[smem:$0x3FB7] =	sst s10  }
0x32: {  	s10 =	sld [smem:$0x3FB5];
	_ =	sdelay $0x3  }
0x33: {  	p0 =	seq.s32 s10, $0x1;
	s10 =	sld [smem:$0x3FB7];
	_ =	sdelay $0x3  }
0x34: {  	[smem:$0x3FB7] =	sst s10  }
0x35: {  	s10 =	sld [smem:$0x3FB6];
	_ =	sdelay $0x3  }
0x36: {  	p1 =	seq.s32 s10, $0x1;
	s10 =	sld [smem:$0x3FB7];
	_ =	sdelay $0x3  }
0x37: {  	[smem:$0x3FB7] =	sst s10  }
0x38: {  	s10 =	sld [smem:$0x3FB8]  }
0x39: {  	_ = 	snop;
	(pc) =	sbr.ind lr, $3  }
0x3a: {  	_ = 	snop  }
0x3b: {  	_ = 	snop  }
0x3c: {  	p2 =	seq.s32 s10, $0x1;
	s10 =	sld [smem:$0x3FB7]  }
0x3d: {  	_ =	shalt  }
0x3e: {  	_ =	shalt  }
0x3f: {  	_ =	shalt  }
0x40: {  	_ =	shalt  }
0x41: {  	_ =	shalt  }
0x42: {  	_ =	shalt  }
0x43: {  	_ =	shalt  }
0x44: {  	_ =	shalt  }
0x45: {  	_ =	shalt  }
0x46: {  	_ =	shalt  }
0x47: {  	_ =	shalt  }
0x48: {  	_ =	shalt  }
0x49: {  	_ =	shalt  }
0x4a: {  	_ =	shalt  }
0x4b: {  	_ =	shalt  }
0x4c: {  	_ =	shalt  }
0x4d: {  	_ =	shalt  }
0x4e: {  	_ =	shalt  }
0x4f: {  	_ =	shalt  }
0x50: {  	_ =	shalt  }
0x51: {  	_ =	shalt  }
0x52: {  	_ =	shalt  }
0x53: {  	_ =	shalt  }
0x54: {  	_ =	shalt  }
0x55: {  	_ =	shalt  }
0x56: {  	_ =	shalt  }
0x57: {  	_ =	shalt  }
0x58: {  	_ =	shalt  }
0x59: {  	_ =	shalt  }
0x5a: {  	_ =	shalt  }
0x5b: {  	_ =	shalt  }
0x5c: {  	_ =	shalt  }
0x5d: {  	_ =	shalt  }
0x5e: {  	_ =	shalt  }
0x5f: {  	_ =	shalt  }
0x60: {  	_ =	shalt  }
0x61: {  	_ =	shalt  }
0x62: {  	_ =	shalt  }
0x63: {  	_ =	shalt  }
0x64: {  	_ =	shalt  }
0x65: {  	_ =	shalt  }
0x66: {  	_ =	shalt  }
0x67: {  	_ =	shalt  }
0x68: {  	_ =	shalt  }
0x69: {  	_ =	shalt  }
0x6a: {  	_ =	shalt  }
0x6b: {  	_ =	shalt  }
0x6c: {  	_ =	shalt  }
0x6d: {  	_ =	shalt  }
0x6e: {  	_ =	shalt  }
0x6f: {  	_ =	shalt  }
0x70: {  	_ =	shalt  }
0x71: {  	_ =	shalt  }
0x72: {  	_ =	shalt  }
0x73: {  	_ =	shalt  }
0x74: {  	_ =	shalt  }
0x75: {  	_ =	shalt  }
0x76: {  	_ =	shalt  }
0x77: {  	_ =	shalt  }
0x78: {  	_ =	shalt  }
0x79: {  	_ =	shalt  }
0x7a: {  	_ =	shalt  }
0x7b: {  	_ =	shalt  }
0x7c: {  	_ =	shalt  }
0x7d: {  	_ =	shalt  }
0x7e: {  	_ =	shalt  }
0x7f: {  	_ =	shalt  }
0x80: {  	_ =	shalt  }
0x81: {  	_ =	shalt  }
0x82: {  	_ =	shalt  }
0x83: {  	_ =	shalt  }
0x84: {  	_ =	shalt  }
0x85: {  	_ =	shalt  }
0x86: {  	_ =	shalt  }
0x87: {  	_ =	shalt  }
.Lfunc_end0:
.L_simem_size_0:
called_computation.1_lowered:
.L_overlay_start_0:
0x88: {  	s2 =	sld [smem:$0x3FD9]  }
0x89: {  	s3 =	sld [smem:$0x3FFE];
	_ =	sdelay $0x1  }
0x8a: {  	s1 =	srdreg.scid  }
0x8b: {  	s0 =	sand.u32 $0x1, s1  }
0x8c: {  	s17 =	sshll.u32 s0, $0xA;
	s2 =	sadd.s32 s3, s2  }
0x8d: {  	s2 =	sadd.s32 s2, s17  }
0x8e: {  	[smem:$0x3FC3] =	sst s2  }
0x8f: {  	_ = 	snop  }
0x90: {  	s2 =	sld [smem:$0x3FD0];
	(tm) =	ssettm $0x1  }
0x91: {  	s18 =	sld [smem:$0x3FFB];
	_ =	sdelay $0x3  }
0x92: {  	_ =	strace s18  }
0x93: {  	s3 =	sld [smem:$0x3FFC];
	_ =	sdelay $0x3  }
0x94: {  	_ =	strace s3  }
0x95: {  	s3 =	sld [smem:$0x3FFD];
	_ =	sdelay $0x3  }
0x96: {  	_ =	strace s3  }
0x97: {  	_ =	strace $0x8FFFFFFF  }
0x98: {  	s19 =	sld [smem:$0x3FDB];
	_ =	sdelay $0x1  }
0x99: {  	s4 =	simm.s32 $_scs_section_size  }
0x9a: {  	s5 =	simm.s32 $_size__tile_overlayer_lowered;
	s6 =	simm.s32 $_tile_overlayer_lowered  }
0x9b: {  	s22 =	simm.s32 $0x1BFF;
	s21 =	sshll.u32 s6, $0x1;
	s3 =	sadd.s32 s4, s19  }
0x9c: {  	s7 =	simm.s32 $0x0;
	s20 =	sshll.u32 s5, $0x1;
	s5 =	sadd.s32 s21, s3  }
0x9d: {  	[timem:s7], [sflag:s22] =	dma.local [hbm:s5], s20  }
0x9e: {  	_ =	swait.ge [sflag:s22], s20  }
0x9f: {  	s4 =	ssub.s32 $0x0, s20;
	[sflag:s22] =	ssyncset.done $0x0  }
0xa0: {  	[sflag:s22] =	ssyncadd.s32 s4;
	_ =	sdelay $0x1  }
0xa1: {  	s23 =	simm.s32 $0x1B8B  }
0xa2: {  	_ =	swait.ge [sflag:s23], $0x1  }
0xa3: {  	[sflag:s23] =	ssyncset.done $0x0  }
0xa4: {  	s25 =	simm.s32 $0x1B8E;
	s24 =	sld [smem:$0x3FFE];
	[sflag:s23] =	ssyncadd.s32 $0xFFFFFFFF  }
0xa5: {  	s26 =	simm.s32 $execute0_lowered;
	[smem:$0x3FD2] =	sst s25  }
0xa6: {  	s5 =	sshll.u32 s26, $0x1;
	_ =	strace $0x80000049;
	[dreg:$0x1] =	wrdreg $0xFFFFFFFF  }
0xa7: {  	s28 =	simm.s32 $_size_execute0_lowered;
	s3 =	sadd.s32 s3, s5;
	[dreg:$0x0] =	wrdreg $0x0  }
0xa8: {  	s5 =	sshll.u32 s28, $0x1;
	[dreg:$0x2] =	wrdreg s3  }
0xa9: {  	[dreg:$0x3] =	wrdreg s5  }
0xaa: {  	[dreg:$0x4] =	wrdreg $0xC0  }
0xab: {  	_ =	task [dreg:s7], $0x5FFFF  }
0xac: {  	[dreg:$0x1] =	wrdreg $0xFFFFFFFF  }
0xad: {  	[dreg:$0x0] =	wrdreg $0x60  }
0xae: {  	[dreg:$0x2] =	wrdreg s24  }
0xaf: {  	[dreg:$0x3] =	wrdreg s2  }
0xb0: {  	[dreg:$0x4] =	wrdreg $0x62800  }
0xb1: {  	[dreg:$0x5] =	wrdreg $0x9  }
0xb2: {  	_ =	task.clear_ibuf [dreg:s7], $0x6FFFF;
	_ =	strace $0x90000049  }
0xb3: {  	s29 =	simm.s32 $0x9;
	_ =	strace $0x8000004B  }
0xb4: {  	_ =	swait.ge [sflag:s29], $0x1  }
0xb5: {  	[sflag:s29] =	ssyncadd.s32 $0xFFFFFFFF  }
0xb6: {  	_ =	strace $0x9000004B  }
0xb7: {  	_ =	sfence  }
0xb8: {  	s30 =	sld [smem:$0x0];
	_ =	sdelay $0x2  }
0xb9: {  	s31 =	sshll.u32 s1, $0xD;
	s1 =	sshrl.u32 s1, $0x2  }
0xba: {  	s3 =	sand.u32 $0x4000, s31;
	s1 =	sadd.s32 s1, s30  }
0xbb: {  	s0 =	sor.u32 s3, s0;
	s1 =	sshll.u32 s1, $0x11  }
0xbc: {  	s0 =	sor.u32 s1, s0  }
0xbd: {  	s0 =	sadd.s32 $0x8F2B, s0  }
0xbe: {  	[sflag:s0] =	ssyncadd.remote.s32 $0x1  }
0xbf: {  	_ =	sfence.sel $0xFFFF  }
0xc0: {  	[dreg:$0x0] =	wrdreg $0xFFFFFFFF;
	(pc) =	sbr.abs _section_cstart, $3  }
0xc1: {  	[dreg:$0x1] =	wrdreg $0xFFFFFFFF  }
0xc2: {  	_ =	task.clear_ibuf [dreg:s7], $0x2FFFF;
	_ =	strace $0x9FFFFFFF  }
0xc3: {  	(tm) =	ssettm $0x7FFFFFFF  }
tec
execute0_lowered:
.L_overlay_start_1:
0x0: {  	(tag) =	ssettag $0x1  }
0x1: {  	s4 =	rddreg [dreg:$0x0]  }
0x2: {  	s5 =	rddreg [dreg:$0x1]  }
0x3: {  	s2 =	rddreg [dreg:$0x2]  }
0x4: {  	s0 =	rddreg [dreg:$0x3];
	s3 =	simm.s32 $0x0  }
0x5: {  	s1 =	stileid.u32;
	s8 =	srdreg.scid;
	s13 =	simm.s32 $0x2280  }
0x6: {  	s14 =	simm.s32 $0x3280;
	s15 =	simm.s32 $0x4280;
	s16 =	simm.s32 $0x1  }
0x7: {  	s17 =	simm.s32 $0x80;
	s18 =	simm.s32 $0x100;
	s6 =	smul.u32 $0x6400, s1  }
0x8: {  	s19 =	simm.s32 $0x180;
	s20 =	simm.s32 $0x200;
	s7 =	smul.u32 $0x320, s1  }
0x9: {  	s21 =	simm.s32 $0x2;
	s23 =	simm.s32 $0x0;
	s26 =	smul.u32 $0x64000, s1  }
0xa: {  	[smem:$0x7FF] =	sst s3;
	s9 =	sand.u32 $0x1, s8;
	s11 =	smul.u32 $0x186A0, s1  }
0xb: {  	_ =	strace $0x8000004A;
	s28 =	ssub.s32 $0x2, s9;
	p0 =	seq.s32 s9, $0x0  }
0xc: {  	s9 =	simm.s32 $0x5280;
	s10 =	sadd.s32 s6, s4;
	s12 =	sadd.s32 s7, s4  }
.Ltmp0:
0xd: {  	s29 =	sshrl.u32 s28, $0x1;
	s30 =	sshrl.u32 s26, $0x2;
	(pc) =	sbr.rel .LBB2_1-.Ltmp0, $4  }
0xe: {  	s31 =	sshrl.u32 s11, $0x3;
	s22 =	sadd.s32 s11, s2;
	s11 =	simm.s32 $0x280  }
0xf: {  	s6 =	ssub.s32 s28, s29;
	s4 =	sadd.s32 s30, s2;
	s5 =	sadd.s32 s5, s31  }
0x10: {  	s7 =	sadd.s32 $0x1000, s10;
	s8 =	sadd.s32 $0x68200, s12;
	s10 =	simm.s32 $0x3  }
0x11: {  	v0 =	vimm.f32 $0.0e+00;
	s12 =	simm.s32 $0x1280;
	s22 =	sshrl.u32 s22, $0x3;
	s6 =	smax.u32 s6, $0x1  }
.LBB2_11:
0x12: {  	[bflag:$0x0] =	sbarrier.arrive $0xFFFF  }
0x13: {  	[bflag:$0x0] =	sbarrier.arrive $0xFFFF  }
.LBB2_9:
0x14: {  	s23 =	sadd.s32 $0x1, s23  }
0x15: {  	p1 =	sne.s32 s23, s6  }
.Ltmp1:
0x16: {  	_ = 	snop;
	(pc) =	sbr.rel @!p1 .LBB2_10-.Ltmp1, $1  }
0x17: {  	_ =	sdelay $0x3  }
.LBB2_1:
.Ltmp2:
0x18: {  	(pc) =	sbr.rel @!p0 .LBB2_11-.Ltmp2, $1  }
0x19: {  	_ =	sdelay $0x3  }
0x1a: {  	s24 =	simm.s32 $0x80;
	s25 =	simm.s32 $0x0  }
.LBB2_3:
0x1b: {  	p1 =	seq.s32 s24, $0x3F80;
	[tilespmem:s25+$0x5280] =	vst v0;
	s26 =	smov.u32 s24;
	s24 =	sadd.s32 $0x80, s24  }
.Ltmp3:
0x1c: {  	[tilespmem:s25+$0x5290] =	vst v0;
	(pc) =	sbr.rel @!p1 .LBB2_3-.Ltmp3, $2  }
0x1d: {  	_ =	sdelay $0x2  }
0x1e: {  	s25 =	sshra.s32 s26, $0x2  }
0x1f: {  	[tilespmem:s25+$0x5280] =	vst v0  }
0x20: {  	[tilespmem:s25+$0x5290] =	vst v0;
	s24 =	sadd.s32 $0x0, s4  }
0x21: {  	[spmem:s24] =	stream.linear.scatter [tilespmem:s9], [sflag:$0x3], $0x1000, $0x38;
	[tilespmem:$0x1F280] =	vst v63  }
0x22: {  	s24 =	simm.s32 $0x4000;
	_ =	swait.ge [sflag:s10], $0x1000  }
.LBB2_5:
0x23: {  	s25 =	sshra.s32 s24, $0x2;
	[sflag:s10] =	ssyncset.done $0x0;
	p1 =	sne.s32 s24, $0x60000  }
.Ltmp4:
0x24: {  	s25 =	sadd.s32 s25, s4;
	[sflag:s10] =	ssyncadd.s32 $0xFFFFF000;
	(pc) =	sbr.rel @p1 .LBB2_5-.Ltmp4, $3  }
0x25: {  	[spmem:s25] =	stream.linear.scatter [tilespmem:s9], [sflag:$0x3], $0x1000, $0x38;
	[tilespmem:$0x1F280] =	vst v63  }
0x26: {  	s24 =	sadd.s32 $0x4000, s24;
	_ =	sdelay $0x1  }
0x27: {  	_ =	swait.ge [sflag:s10], $0x1000  }
0x28: {  	[sflag:s10] =	ssyncset.done $0x0  }
0x29: {  	[sflag:s10] =	ssyncadd.s32 $0xFFFFF000  }
0x2a: {  	[bflag:$0x0] =	sbarrier.arrive $0xFFFF  }
0x2b: {  	[tilespmem:s3], [sflag:$0x3] =	stream.linear.gather [hbm4b:s8+s3], $0x280, $0x38;
	[tilespmem:$0x1F280] =	vst v63  }
0x2c: {  	_ =	swait.ge [sflag:s10], $0x280  }
0x2d: {  	[sflag:s10] =	ssyncset.done $0x0  }
0x2e: {  	s24 =	sadd.s32 $0x0, s7;
	[sflag:s10] =	ssyncadd.s32 $0xFFFFFD80  }
0x2f: {  	[tilespmem:s11], [sflag:$0x1] =	stream.linear.gather [hbm4b:s24+s3], $0x1000, $0x38;
	[tilespmem:$0x1F280] =	vst v63  }
0x30: {  	s25 =	sadd.s32 $0x200, s24  }
0x31: {  	[tilespmem:s12], [sflag:$0x1] =	stream.linear.gather [hbm4b:s25+s3], $0x1000, $0x38;
	[tilespmem:$0x1F280] =	vst v63  }
0x32: {  	s30 =	sadd.s32 $0x400, s24  }
0x33: {  	[tilespmem:s13], [sflag:$0x1] =	stream.linear.gather [hbm4b:s30+s3], $0x1000, $0x38;
	[tilespmem:$0x1F280] =	vst v63  }
0x34: {  	s31 =	sadd.s32 $0x600, s24  }
0x35: {  	[tilespmem:s14], [sflag:$0x1] =	stream.linear.gather [hbm4b:s31+s3], $0x1000, $0x38;
	[tilespmem:$0x1F280] =	vst v63  }
0x36: {  	s24 =	sadd.s32 $0x800, s24  }
0x37: {  	[tilespmem:s15], [sflag:$0x1] =	stream.linear.gather [hbm4b:s24+s3], $0x1000, $0x38;
	[tilespmem:$0x1F280] =	vst v63  }
0x38: {  	_ =	swait.ge [sflag:s16], $0x1000  }
0x39: {  	[sflag:s16] =	ssyncset.done $0x0  }
0x3a: {  	[sflag:s16] =	ssyncadd.s32 $0xFFFFF000  }
0x3b: {  	_ =	swait.ge [sflag:s16], $0x1000  }
0x3c: {  	[sflag:s16] =	ssyncset.done $0x0  }
0x3d: {  	[sflag:s16] =	ssyncadd.s32 $0xFFFFF000  }
0x3e: {  	_ =	swait.ge [sflag:s16], $0x1000  }
0x3f: {  	[sflag:s16] =	ssyncset.done $0x0  }
0x40: {  	[sflag:s16] =	ssyncadd.s32 $0xFFFFF000  }
0x41: {  	_ =	swait.ge [sflag:s16], $0x1000  }
0x42: {  	[sflag:s16] =	ssyncset.done $0x0  }
0x43: {  	[sflag:s16] =	ssyncadd.s32 $0xFFFFF000  }
0x44: {  	_ =	swait.ge [sflag:s16], $0x1000  }
0x45: {  	[sflag:s16] =	ssyncset.done $0x0  }
0x46: {  	[sflag:s16] =	ssyncadd.s32 $0xFFFFF000  }
0x47: {  	[spmem:s2] =	stream.indirect.scatter.add.f32 [tilespmem:s11], [sflag:$0x2], $0x20, s3, s17, $0xb8;
	[tilespmem:$0x1F280] =	vst v63  }
0x48: {  	_ = 	snop  }
0x49: {  	[spmem:s2] =	stream.indirect.scatter.add.f32 [tilespmem:s12], [sflag:$0x2], $0x20, s17, s17, $0xb8;
	[tilespmem:$0x1F280] =	vst v63  }
0x4a: {  	_ = 	snop  }
0x4b: {  	[spmem:s2] =	stream.indirect.scatter.add.f32 [tilespmem:s13], [sflag:$0x2], $0x20, s18, s17, $0xb8;
	[tilespmem:$0x1F280] =	vst v63  }
0x4c: {  	_ = 	snop  }
0x4d: {  	[spmem:s2] =	stream.indirect.scatter.add.f32 [tilespmem:s14], [sflag:$0x2], $0x20, s19, s17, $0xb8;
	[tilespmem:$0x1F280] =	vst v63  }
0x4e: {  	_ = 	snop  }
0x4f: {  	[spmem:s2] =	stream.indirect.scatter.add.f32 [tilespmem:s15], [sflag:$0x2], $0x20, s20, s17, $0xb8;
	[tilespmem:$0x1F280] =	vst v63  }
0x50: {  	_ =	swait.ge [sflag:s21], $0x1000  }
0x51: {  	[sflag:s21] =	ssyncset.done $0x0  }
0x52: {  	[sflag:s21] =	ssyncadd.s32 $0xFFFFF000  }
0x53: {  	_ =	swait.ge [sflag:s21], $0x1000  }
0x54: {  	[sflag:s21] =	ssyncset.done $0x0  }
0x55: {  	[sflag:s21] =	ssyncadd.s32 $0xFFFFF000  }
0x56: {  	_ =	swait.ge [sflag:s21], $0x1000  }
0x57: {  	[sflag:s21] =	ssyncset.done $0x0  }
0x58: {  	[sflag:s21] =	ssyncadd.s32 $0xFFFFF000  }
0x59: {  	_ =	swait.ge [sflag:s21], $0x1000  }
0x5a: {  	[sflag:s21] =	ssyncset.done $0x0  }
0x5b: {  	[sflag:s21] =	ssyncadd.s32 $0xFFFFF000  }
0x5c: {  	_ =	swait.ge [sflag:s21], $0x1000  }
0x5d: {  	s25 =	smov.u32 s8;
	s24 =	simm.s32 $0xA00;
	[sflag:s21] =	ssyncset.done $0x0  }
.LBB2_7:
0x5e: {  	p1 =	seq.s32 s24, $0x5A00;
	[sflag:s21] =	ssyncadd.s32 $0xFFFFF000;
	s25 =	sadd.s32 $0x50, s25  }
0x5f: {  	[tilespmem:s3], [sflag:$0x3] =	stream.linear.gather [hbm4b:s25+s3], $0x280, $0x38;
	[tilespmem:$0x1F280] =	vst v63  }
0x60: {  	s26 =	smov.u32 s24;
	s24 =	sadd.s32 $0xA00, s24;
	_ =	swait.ge [sflag:s10], $0x280  }
0x61: {  	[sflag:s10] =	ssyncset.done $0x0  }
0x62: {  	s26 =	sadd.s32 s26, s7;
	[sflag:s10] =	ssyncadd.s32 $0xFFFFFD80  }
0x63: {  	[tilespmem:s11], [sflag:$0x1] =	stream.linear.gather [hbm4b:s26+s3], $0x1000, $0x38;
	[tilespmem:$0x1F280] =	vst v63  }
0x64: {  	s28 =	sadd.s32 $0x200, s26  }
0x65: {  	[tilespmem:s12], [sflag:$0x1] =	stream.linear.gather [hbm4b:s28+s3], $0x1000, $0x38;
	[tilespmem:$0x1F280] =	vst v63  }
0x66: {  	s28 =	sadd.s32 $0x400, s26  }
0x67: {  	[tilespmem:s13], [sflag:$0x1] =	stream.linear.gather [hbm4b:s28+s3], $0x1000, $0x38;
	[tilespmem:$0x1F280] =	vst v63  }
0x68: {  	s28 =	sadd.s32 $0x600, s26  }
0x69: {  	[tilespmem:s14], [sflag:$0x1] =	stream.linear.gather [hbm4b:s28+s3], $0x1000, $0x38;
	[tilespmem:$0x1F280] =	vst v63  }
0x6a: {  	s26 =	sadd.s32 $0x800, s26  }
0x6b: {  	[tilespmem:s15], [sflag:$0x1] =	stream.linear.gather [hbm4b:s26+s3], $0x1000, $0x38;
	[tilespmem:$0x1F280] =	vst v63  }
0x6c: {  	_ =	swait.ge [sflag:s16], $0x1000  }
0x6d: {  	[sflag:s16] =	ssyncset.done $0x0  }
0x6e: {  	[sflag:s16] =	ssyncadd.s32 $0xFFFFF000  }
0x6f: {  	_ =	swait.ge [sflag:s16], $0x1000  }
0x70: {  	[sflag:s16] =	ssyncset.done $0x0  }
0x71: {  	[sflag:s16] =	ssyncadd.s32 $0xFFFFF000  }
0x72: {  	_ =	swait.ge [sflag:s16], $0x1000  }
0x73: {  	[sflag:s16] =	ssyncset.done $0x0  }
0x74: {  	[sflag:s16] =	ssyncadd.s32 $0xFFFFF000  }
0x75: {  	_ =	swait.ge [sflag:s16], $0x1000  }
0x76: {  	[sflag:s16] =	ssyncset.done $0x0  }
0x77: {  	[sflag:s16] =	ssyncadd.s32 $0xFFFFF000  }
0x78: {  	_ =	swait.ge [sflag:s16], $0x1000  }
0x79: {  	[sflag:s16] =	ssyncset.done $0x0  }
0x7a: {  	[sflag:s16] =	ssyncadd.s32 $0xFFFFF000  }
0x7b: {  	[spmem:s2] =	stream.indirect.scatter.add.f32 [tilespmem:s11], [sflag:$0x2], $0x20, s3, s17, $0xb8;
	[tilespmem:$0x1F280] =	vst v63  }
0x7c: {  	_ = 	snop  }
0x7d: {  	[spmem:s2] =	stream.indirect.scatter.add.f32 [tilespmem:s12], [sflag:$0x2], $0x20, s17, s17, $0xb8;
	[tilespmem:$0x1F280] =	vst v63  }
0x7e: {  	_ = 	snop  }
0x7f: {  	[spmem:s2] =	stream.indirect.scatter.add.f32 [tilespmem:s13], [sflag:$0x2], $0x20, s18, s17, $0xb8;
	[tilespmem:$0x1F280] =	vst v63  }
0x80: {  	_ = 	snop  }
0x81: {  	[spmem:s2] =	stream.indirect.scatter.add.f32 [tilespmem:s14], [sflag:$0x2], $0x20, s19, s17, $0xb8;
	[tilespmem:$0x1F280] =	vst v63  }
0x82: {  	_ = 	snop  }
0x83: {  	[spmem:s2] =	stream.indirect.scatter.add.f32 [tilespmem:s15], [sflag:$0x2], $0x20, s20, s17, $0xb8;
	[tilespmem:$0x1F280] =	vst v63  }
0x84: {  	_ =	swait.ge [sflag:s21], $0x1000  }
0x85: {  	[sflag:s21] =	ssyncset.done $0x0  }
0x86: {  	[sflag:s21] =	ssyncadd.s32 $0xFFFFF000  }
0x87: {  	_ =	swait.ge [sflag:s21], $0x1000  }
0x88: {  	[sflag:s21] =	ssyncset.done $0x0  }
0x89: {  	[sflag:s21] =	ssyncadd.s32 $0xFFFFF000  }
0x8a: {  	_ =	swait.ge [sflag:s21], $0x1000  }
0x8b: {  	[sflag:s21] =	ssyncset.done $0x0  }
0x8c: {  	[sflag:s21] =	ssyncadd.s32 $0xFFFFF000  }
.Ltmp5:
0x8d: {  	_ =	swait.ge [sflag:s21], $0x1000;
	(pc) =	sbr.rel @!p1 .LBB2_7-.Ltmp5, $4  }
0x8e: {  	[sflag:s21] =	ssyncset.done $0x0  }
0x8f: {  	[sflag:s21] =	ssyncadd.s32 $0xFFFFF000  }
0x90: {  	_ =	swait.ge [sflag:s21], $0x1000  }
0x91: {  	[sflag:s21] =	ssyncset.done $0x0  }
0x92: {  	[sflag:s21] =	ssyncadd.s32 $0xFFFFF000;
	s24 =	sshll.u32 s1, $0x6  }
.Ltmp6:
0x93: {  	[bflag:$0x0] =	sbarrier.arrive $0xFFFF;
	s24 =	sor.u32 $0x1C03, s24;
	(pc) =	sbr.rel .LBB2_9-.Ltmp6, $4  }
0x94: {  	[hbm:s5], [sflag:s24] =	dma.local [spmem:s22], $0x30D4  }
0x95: {  	_ =	swait.ge [sflag:s10], $0x30D4  }
0x96: {  	[sflag:s10] =	ssyncset.done $0x0  }
0x97: {  	[sflag:s10] =	ssyncadd.s32 $0xFFFFCF2C  }
.LBB2_10:
0x98: {  	_ =	sfence.sel $0x180000  }
0x99: {  	[bflag:$0x0] =	sbarrier.arrive $0xFFFF  }
0x9a: {  	p0 =	sne.s32 s1, $0x0;
	_ =	strace $0x9000004A  }
0x9b: {  	s0 =	sadd.s32 @!p0 $0x100000, s0;
	[bflag:$0x2] =	sbarrier.arrive $0xFFFF  }
0x9c: {  	[sflag:s0] =	ssyncadd.tile.s32 @!p0 $0x1;
	_ =	shalt  }
.Lfunc_end2:
_tile_overlayer_lowered:
.L_overlay_start_2:
0x9d: {  	(tag) =	ssettag $0x2  }
0x9e: {  	s0 =	rddreg [dreg:$0x0];
	s2 =	stileid.u32  }
0x9f: {  	s1 =	rddreg [dreg:$0x1];
	p0 =	sne.s32 s2, $0x0  }
0xa0: {  	s3 =	rddreg [dreg:$0x2];
	[bflag:$0x3] =	sbarrier.arrive $0xFFFF;
	s2 =	simm.s32 @!p0 $0x1C03  }
0xa1: {  	[timem:s3], [sflag:s2] =	dma.local @!p0 [hbm:s0], s1  }
0xa2: {  	s0 =	simm.s32 @!p0 $0x3  }
0xa3: {  	_ =	swait.ge @!p0 [sflag:s0], s1  }
0xa4: {  	s1 =	ssub.s32 @!p0 $0x0, s1;
	[sflag:s0] =	ssyncset.done @!p0 $0x0  }
0xa5: {  	[sflag:s0] =	ssyncadd.s32 @!p0 s1  }
0xa6: {  	[bflag:$0x3] =	sbarrier.arrive $0xFFFF  }
0xa7: {  	_ =	shalt  }

</sc_bundles>
